<compile_context>
chip_gen: v7x
topology: tpu7x:2x2x1
jax: 0.10.2.dev20260603
libtpu: 0.0.44.dev20260713+nightly
codegen_flags: <defaults>
</compile_context>

<pallas_src>
import functools

import jax
import jax.numpy as jnp
from jax import lax
from jax.experimental import pallas as pl
from jax.experimental.pallas import tpu as pltpu
from jax.experimental.pallas import tpu_sc as plsc

_EW = 20



def _make_emb_gather(B, d0, d1, d2, v0, v1, v2):
    info = plsc.get_sparse_core_info()
    NC, NS = info.num_cores, info.num_subcores
    NW = NC * NS
    bpw = B // NW
    ngrp = bpw // 16

    mesh = plsc.VectorSubcoreMesh(core_axis_name="c", subcore_axis_name="s")

    @functools.partial(
        pl.kernel,
        mesh=mesh,
        out_type=jax.ShapeDtypeStruct((B, _EW), jnp.float32),
        compiler_params=pltpu.CompilerParams(use_tc_tiling_on_sc=False,
                                             needs_layout_passes=False),
        scratch_types=[
            pltpu.VMEM((3, bpw), jnp.int32),
            pltpu.VMEM((d0, v0), jnp.float32),
            pltpu.VMEM((d1, v1), jnp.float32),
            pltpu.VMEM((d2, v2), jnp.float32),
            pltpu.VMEM((bpw, _EW), jnp.float32),
            pltpu.SemaphoreType.DMA,
        ],
    )
    def emb_gather(cat_hbm, t0_hbm, t1_hbm, t2_hbm, out_hbm,
                   cat_v, t0_v, t1_v, t2_v, out_v, sem):
        wid = lax.axis_index("s") * NC + lax.axis_index("c")
        base = wid * bpw
        cps = [pltpu.async_copy(cat_hbm.at[:, pl.ds(base, bpw)], cat_v, sem),
               pltpu.async_copy(t0_hbm, t0_v, sem),
               pltpu.async_copy(t1_hbm, t1_v, sem),
               pltpu.async_copy(t2_hbm, t2_v, sem)]
        for c in cps:
            c.wait()

        lanes = lax.iota(jnp.int32, 16)

        def body(g, carry):
            rows = g * 16 + lanes
            col = lambda c: jnp.full((16,), c, jnp.int32)
            iv0 = plsc.load_gather(cat_v, [col(0), rows])
            iv1 = plsc.load_gather(cat_v, [col(1), rows])
            iv2 = plsc.load_gather(cat_v, [col(2), rows])
            for l in range(d0):
                v = plsc.load_gather(t0_v, [col(l), iv0])
                plsc.store_scatter(out_v, [rows, col(l)], v)
            for l in range(d1):
                v = plsc.load_gather(t1_v, [col(l), iv1])
                plsc.store_scatter(out_v, [rows, col(d0 + l)], v)
            for l in range(d2):
                v = plsc.load_gather(t2_v, [col(l), iv2])
                plsc.store_scatter(out_v, [rows, col(d0 + d1 + l)], v)
            return carry

        lax.fori_loop(0, ngrp, body, 0, unroll=4)
        pltpu.sync_copy(out_v, out_hbm.at[pl.ds(base, bpw)])

    return emb_gather



def _dot(x, w):
    return lax.dot_general(x, w, (((1,), (0,)), ((), ())),
                           preferred_element_type=jnp.float32)


def _dotnt(x, w):
    return lax.dot_general(x, w, (((1,), (1,)), ((), ())),
                           preferred_element_type=jnp.float32)


def _mlp_body(contt_ref, xe_ref, w0et_ref, w0ct_ref, b0_ref, w1t_ref,
              b1_ref, w2_ref, b2_ref, w3_ref, b3_ref, w4_ref, b4_ref,
              out_ref):
    x0 = (_dot(xe_ref[...], w0et_ref[...])
          + lax.dot_general(contt_ref[...], w0ct_ref[...],
                            (((0,), (0,)), ((), ())),
                            preferred_element_type=jnp.float32)
          + b0_ref[...][None, :])
    h = jnp.maximum(x0, 0.0)
    h = jnp.maximum(_dot(h, w1t_ref[...]) + b1_ref[...][None, :], 0.0)
    h = jnp.maximum(_dotnt(h, w2_ref[...]) + b2_ref[...][None, :], 0.0)
    h = jnp.maximum(_dotnt(h, w3_ref[...]) + b3_ref[...][None, :], 0.0)
    logits_t = (lax.dot_general(w4_ref[...], h, (((1,), (1,)), ((), ())),
                                preferred_element_type=jnp.float32)
                + b4_ref[...][:, None])
    out_ref[...] = jax.nn.log_softmax(logits_t, axis=0)


def _run_mlp(contt, xe, w0et, w0ct, b0, w1t, b1, w2, b2, w3, b3, w4, b4,
             blk):
    B = contt.shape[1]
    grid = (B // blk,)
    row = lambda i: (i, 0)
    colb = lambda i: (0, i)
    whole2 = lambda i: (0, 0)
    whole1 = lambda i: (0,)
    wspec = lambda w: pl.BlockSpec(w.shape, whole2)
    bspec = lambda b: pl.BlockSpec(b.shape, whole1)
    outt = pl.pallas_call(
        _mlp_body,
        grid=grid,
        in_specs=[
            pl.BlockSpec((contt.shape[0], blk), colb),
            pl.BlockSpec((blk, _EW), row),
            wspec(w0et), wspec(w0ct), bspec(b0), wspec(w1t), bspec(b1),
            wspec(w2), bspec(b2), wspec(w3), bspec(b3), wspec(w4),
            bspec(b4),
        ],
        out_specs=pl.BlockSpec((2, blk), colb),
        out_shape=jax.ShapeDtypeStruct((2, B), jnp.float32),
    )(contt, xe, w0et, w0ct, b0, w1t, b1, w2, b2, w3, b3, w4, b4)
    return outt.T



def kernel(cont_data, cat_data, E0, E1, E2, W0, b0, W1, b1, W2, b2, W3, b3,
           W4, b4):
    B = cont_data.shape[0]
    emb_gather = _make_emb_gather(B, E0.shape[1], E1.shape[1], E2.shape[1],
                                  E0.shape[0], E1.shape[0], E2.shape[0])
    xe = emb_gather(cat_data.astype(jnp.int32).T, E0.T, E1.T, E2.T)
    w0t = W0.T
    return _run_mlp(cont_data.T, xe, w0t[:_EW], w0t[_EW:], b0, W1.T, b1,
                    W2, b2, W3, b3, W4, b4, blk=4096)

# --- scband reference (transcript-rebuilt; emitter-appended) ---
"""Pipeline reference for scband-feed-forward-nn-8873402433721 (READ-ONLY COPY).

The authoritative reference and input builder live on the scoring server;
editing this copy changes nothing except your own understanding.
"""

import jax, jax.numpy as jnp
import numpy as np


def _kaiming(key, out_f, in_f):
    return jax.random.normal(key, (out_f, in_f), dtype=jnp.float32) * jnp.sqrt(2.0 / in_f)


def setup_inputs(seed: int = 0) -> dict:
    key = jax.random.key(seed)
    ks = jax.random.split(key, 16)
    B = 16384
    cont_data = jax.random.normal(ks[0], (B, 39), dtype=jnp.float32)
    # cat values in [0, 9) so they are valid indices for all three tables (133, 13, 9)
    cat_data = jax.random.randint(ks[1], (B, 3), 0, 9, dtype=jnp.int64)
    # embedding tables per emb_dims = [(133,10),(13,6),(9,4)]
    E0 = jax.random.normal(ks[2], (133, 10), dtype=jnp.float32)
    E1 = jax.random.normal(ks[3], (13, 6), dtype=jnp.float32)
    E2 = jax.random.normal(ks[4], (9, 4), dtype=jnp.float32)
    # lin layers: in = 10+6+4+39 = 59 -> 200 -> 100 -> 50 -> 20 -> 2
    W0 = _kaiming(ks[5], 200, 59); b0 = jnp.zeros((200,), jnp.float32)
    W1 = _kaiming(ks[6], 100, 200); b1 = jnp.zeros((100,), jnp.float32)
    W2 = _kaiming(ks[7], 50, 100); b2 = jnp.zeros((50,), jnp.float32)
    W3 = _kaiming(ks[8], 20, 50); b3 = jnp.zeros((20,), jnp.float32)
    W4 = _kaiming(ks[9], 2, 20); b4 = jnp.zeros((2,), jnp.float32)
    return {"cont_data": cont_data, "cat_data": cat_data,
            "E0": E0, "E1": E1, "E2": E2,
            "W0": W0, "b0": b0, "W1": W1, "b1": b1,
            "W2": W2, "b2": b2, "W3": W3, "b3": b3,
            "W4": W4, "b4": b4}


def reference(cont_data, cat_data, E0, E1, E2, W0, b0, W1, b1, W2, b2, W3, b3, W4, b4):
    # embedding lookups (gather) per categorical column
    e0 = jnp.take(E0, cat_data[:, 0], axis=0)
    e1 = jnp.take(E1, cat_data[:, 1], axis=0)
    e2 = jnp.take(E2, cat_data[:, 2], axis=0)
    x = jnp.concatenate([e0, e1, e2], axis=1)
    x = jnp.concatenate([x, cont_data], axis=1)
    x = jax.nn.relu(x @ W0.T + b0)
    x = jax.nn.relu(x @ W1.T + b1)
    x = jax.nn.relu(x @ W2.T + b2)
    x = jax.nn.relu(x @ W3.T + b3)
    logits = x @ W4.T + b4
    return jax.nn.log_softmax(logits, axis=1)

if __name__ == "__main__":
    import jax
    _d = setup_inputs()
    print(jax.jit(kernel)(*tuple(_d.values())))

</pallas_src>

<mosaic_0001>
#map = affine_map<(d0, d1) -> (0, 0)>
module attributes {stable_mosaic.version = 14 : i64} {
  func.func @emb_gather(%arg0: i32, %arg1: i32, %arg2: memref<3x16384xi32, #tpu.memory_space<hbm>>, %arg3: memref<10x133xf32, #tpu.memory_space<hbm>>, %arg4: memref<6x13xf32, #tpu.memory_space<hbm>>, %arg5: memref<4x9xf32, #tpu.memory_space<hbm>>, %arg6: memref<16384x20xf32, #tpu.memory_space<hbm>>, %arg7: memref<3x512xi32, #tpu.memory_space<vmem>>, %arg8: memref<10x133xf32, #tpu.memory_space<vmem>>, %arg9: memref<6x13xf32, #tpu.memory_space<vmem>>, %arg10: memref<4x9xf32, #tpu.memory_space<vmem>>, %arg11: memref<512x20xf32, #tpu.memory_space<vmem>>, %arg12: memref<!tpu.dma_semaphore, #tpu.memory_space<semaphore_mem>>) attributes {dimension_semantics = [#tpu.dimension_semantics<core_parallel>, #tpu.dimension_semantics<subcore_parallel>], iteration_bounds = array<i64: 2, 16>, scalar_prefetch = 0 : i64, scratch_operands = 6 : i64, tpu.core_type = #tpu.core_type<sc_vector_subcore>, window_params = [{transform_indices = #map}, {transform_indices = #map}, {transform_indices = #map}, {transform_indices = #map}, {transform_indices = #map}]} {
    %mul3A = arith.constant 2 : i32
    %mul3A_0 = arith.muli %arg1, %mul3A : i32
    %add3A = arith.addi %mul3A_0, %arg0 : i32
    %mul3A_1 = arith.constant 512 : i32
    %mul3A_2 = arith.muli %add3A, %mul3A_1 : i32
    %dma_start3A = arith.constant 0 : i32
    %dma_start3A_3 = tpu.memref_slice %arg2[%dma_start3A, %mul3A_2] : memref<3x16384xi32, #tpu.memory_space<hbm>> -> memref<3x512xi32, #tpu.memory_space<hbm>>
    %dma_start3A_4 = arith.constant 0 : i32
    %dma_start3A_5 = tpu.memref_slice %arg2[%dma_start3A_4, %mul3A_2] : memref<3x16384xi32, #tpu.memory_space<hbm>> -> memref<3x512xi32, #tpu.memory_space<hbm>>
    tpu.enqueue_dma source(%dma_start3A_5 : memref<3x512xi32, #tpu.memory_space<hbm>>) target(%arg7 : memref<3x512xi32, #tpu.memory_space<vmem>>) target_semaphore(%arg12 : memref<!tpu.dma_semaphore, #tpu.memory_space<semaphore_mem>>)
    tpu.enqueue_dma source(%arg3 : memref<10x133xf32, #tpu.memory_space<hbm>>) target(%arg8 : memref<10x133xf32, #tpu.memory_space<vmem>>) target_semaphore(%arg12 : memref<!tpu.dma_semaphore, #tpu.memory_space<semaphore_mem>>)
    tpu.enqueue_dma source(%arg4 : memref<6x13xf32, #tpu.memory_space<hbm>>) target(%arg9 : memref<6x13xf32, #tpu.memory_space<vmem>>) target_semaphore(%arg12 : memref<!tpu.dma_semaphore, #tpu.memory_space<semaphore_mem>>)
    tpu.enqueue_dma source(%arg5 : memref<4x9xf32, #tpu.memory_space<hbm>>) target(%arg10 : memref<4x9xf32, #tpu.memory_space<vmem>>) target_semaphore(%arg12 : memref<!tpu.dma_semaphore, #tpu.memory_space<semaphore_mem>>)
    %dma_wait3A = arith.constant 0 : i32
    %dma_wait3A_6 = tpu.memref_slice %arg2[%dma_wait3A, %mul3A_2] : memref<3x16384xi32, #tpu.memory_space<hbm>> -> memref<3x512xi32, #tpu.memory_space<hbm>>
    %dma_wait3A_7 = arith.constant 0 : i32
    %dma_wait3A_8 = tpu.memref_slice %arg2[%dma_wait3A_7, %mul3A_2] : memref<3x16384xi32, #tpu.memory_space<hbm>> -> memref<3x512xi32, #tpu.memory_space<hbm>>
    tpu.wait_dma2 semaphore(%arg12 : memref<!tpu.dma_semaphore, #tpu.memory_space<semaphore_mem>>) src(%dma_wait3A_8 : memref<3x512xi32, #tpu.memory_space<hbm>>) dst(%arg7 : memref<3x512xi32, #tpu.memory_space<vmem>>)
    tpu.wait_dma2 semaphore(%arg12 : memref<!tpu.dma_semaphore, #tpu.memory_space<semaphore_mem>>) src(%arg3 : memref<10x133xf32, #tpu.memory_space<hbm>>) dst(%arg8 : memref<10x133xf32, #tpu.memory_space<vmem>>)
    tpu.wait_dma2 semaphore(%arg12 : memref<!tpu.dma_semaphore, #tpu.memory_space<semaphore_mem>>) src(%arg4 : memref<6x13xf32, #tpu.memory_space<hbm>>) dst(%arg9 : memref<6x13xf32, #tpu.memory_space<vmem>>)
    tpu.wait_dma2 semaphore(%arg12 : memref<!tpu.dma_semaphore, #tpu.memory_space<semaphore_mem>>) src(%arg5 : memref<4x9xf32, #tpu.memory_space<hbm>>) dst(%arg10 : memref<4x9xf32, #tpu.memory_space<vmem>>)
    %iota3A = tpu.iota {dimensions = array<i32: 0>} : vector<16xi32>
    %scan3A = arith.constant 0 : i32
    %scan3A_9 = arith.constant 0 : i32
    %scan3A_10 = arith.constant 32 : i32
    %scan3A_11 = arith.addi %scan3A_9, %scan3A_10 : i32
    %scan3A_12 = arith.constant 4 : i32
    scf.for %scan3A_14 = %scan3A_9 to %scan3A_11 step %scan3A_12  : i32 {
      %mul3A_15 = arith.constant 16 : i32
      %mul3A_16 = arith.muli %scan3A_14, %mul3A_15 : i32
      %add3A_17 = vector.broadcast %mul3A_16 : i32 to vector<16xi32>
      %add3A_18 = arith.addi %add3A_17, %iota3A : vector<16xi32>
      %broadcast_in_dim3A = arith.constant 0 : i32
      %broadcast_in_dim3A_19 = vector.broadcast %broadcast_in_dim3A : i32 to vector<16xi32>
      %gather3A = tpu.vector_load_idx %arg7[%broadcast_in_dim3A_19, %add3A_18] : memref<3x512xi32, #tpu.memory_space<vmem>>[vector<16xi32>, vector<16xi32>], vector<16xi32>,
      %broadcast_in_dim3A_20 = arith.constant 1 : i32
      %broadcast_in_dim3A_21 = vector.broadcast %broadcast_in_dim3A_20 : i32 to vector<16xi32>
      %gather3A_22 = tpu.vector_load_idx %arg7[%broadcast_in_dim3A_21, %add3A_18] : memref<3x512xi32, #tpu.memory_space<vmem>>[vector<16xi32>, vector<16xi32>], vector<16xi32>,
      %broadcast_in_dim3A_23 = arith.constant 2 : i32
      %broadcast_in_dim3A_24 = vector.broadcast %broadcast_in_dim3A_23 : i32 to vector<16xi32>
      %gather3A_25 = tpu.vector_load_idx %arg7[%broadcast_in_dim3A_24, %add3A_18] : memref<3x512xi32, #tpu.memory_space<vmem>>[vector<16xi32>, vector<16xi32>], vector<16xi32>,
      %broadcast_in_dim3A_26 = arith.constant 0 : i32
      %broadcast_in_dim3A_27 = vector.broadcast %broadcast_in_dim3A_26 : i32 to vector<16xi32>
      %gather3A_28 = tpu.vector_load_idx %arg8[%broadcast_in_dim3A_27, %gather3A] : memref<10x133xf32, #tpu.memory_space<vmem>>[vector<16xi32>, vector<16xi32>], vector<16xf32>,
      %broadcast_in_dim3A_29 = arith.constant 0 : i32
      %broadcast_in_dim3A_30 = vector.broadcast %broadcast_in_dim3A_29 : i32 to vector<16xi32>
      tpu.vector_store_idx %arg11[%add3A_18, %broadcast_in_dim3A_30], %gather3A_28 : memref<512x20xf32, #tpu.memory_space<vmem>>[vector<16xi32>, vector<16xi32>], vector<16xf32>,
      %broadcast_in_dim3A_31 = arith.constant 1 : i32
      %broadcast_in_dim3A_32 = vector.broadcast %broadcast_in_dim3A_31 : i32 to vector<16xi32>
      %gather3A_33 = tpu.vector_load_idx %arg8[%broadcast_in_dim3A_32, %gather3A] : memref<10x133xf32, #tpu.memory_space<vmem>>[vector<16xi32>, vector<16xi32>], vector<16xf32>,
      %broadcast_in_dim3A_34 = arith.constant 1 : i32
      %broadcast_in_dim3A_35 = vector.broadcast %broadcast_in_dim3A_34 : i32 to vector<16xi32>
      tpu.vector_store_idx %arg11[%add3A_18, %broadcast_in_dim3A_35], %gather3A_33 : memref<512x20xf32, #tpu.memory_space<vmem>>[vector<16xi32>, vector<16xi32>], vector<16xf32>,
      %broadcast_in_dim3A_36 = arith.constant 2 : i32
      %broadcast_in_dim3A_37 = vector.broadcast %broadcast_in_dim3A_36 : i32 to vector<16xi32>
      %gather3A_38 = tpu.vector_load_idx %arg8[%broadcast_in_dim3A_37, %gather3A] : memref<10x133xf32, #tpu.memory_space<vmem>>[vector<16xi32>, vector<16xi32>], vector<16xf32>,
      %broadcast_in_dim3A_39 = arith.constant 2 : i32
      %broadcast_in_dim3A_40 = vector.broadcast %broadcast_in_dim3A_39 : i32 to vector<16xi32>
      tpu.vector_store_idx %arg11[%add3A_18, %broadcast_in_dim3A_40], %gather3A_38 : memref<512x20xf32, #tpu.memory_space<vmem>>[vector<16xi32>, vector<16xi32>], vector<16xf32>,
      %broadcast_in_dim3A_41 = arith.constant 3 : i32
      %broadcast_in_dim3A_42 = vector.broadcast %broadcast_in_dim3A_41 : i32 to vector<16xi32>
      %gather3A_43 = tpu.vector_load_idx %arg8[%broadcast_in_dim3A_42, %gather3A] : memref<10x133xf32, #tpu.memory_space<vmem>>[vector<16xi32>, vector<16xi32>], vector<16xf32>,
      %broadcast_in_dim3A_44 = arith.constant 3 : i32
      %broadcast_in_dim3A_45 = vector.broadcast %broadcast_in_dim3A_44 : i32 to vector<16xi32>
      tpu.vector_store_idx %arg11[%add3A_18, %broadcast_in_dim3A_45], %gather3A_43 : memref<512x20xf32, #tpu.memory_space<vmem>>[vector<16xi32>, vector<16xi32>], vector<16xf32>,
      %broadcast_in_dim3A_46 = arith.constant 4 : i32
      %broadcast_in_dim3A_47 = vector.broadcast %broadcast_in_dim3A_46 : i32 to vector<16xi32>
      %gather3A_48 = tpu.vector_load_idx %arg8[%broadcast_in_dim3A_47, %gather3A] : memref<10x133xf32, #tpu.memory_space<vmem>>[vector<16xi32>, vector<16xi32>], vector<16xf32>,
      %broadcast_in_dim3A_49 = arith.constant 4 : i32
      %broadcast_in_dim3A_50 = vector.broadcast %broadcast_in_dim3A_49 : i32 to vector<16xi32>
      tpu.vector_store_idx %arg11[%add3A_18, %broadcast_in_dim3A_50], %gather3A_48 : memref<512x20xf32, #tpu.memory_space<vmem>>[vector<16xi32>, vector<16xi32>], vector<16xf32>,
      %broadcast_in_dim3A_51 = arith.constant 5 : i32
      %broadcast_in_dim3A_52 = vector.broadcast %broadcast_in_dim3A_51 : i32 to vector<16xi32>
      %gather3A_53 = tpu.vector_load_idx %arg8[%broadcast_in_dim3A_52, %gather3A] : memref<10x133xf32, #tpu.memory_space<vmem>>[vector<16xi32>, vector<16xi32>], vector<16xf32>,
      %broadcast_in_dim3A_54 = arith.constant 5 : i32
      %broadcast_in_dim3A_55 = vector.broadcast %broadcast_in_dim3A_54 : i32 to vector<16xi32>
      tpu.vector_store_idx %arg11[%add3A_18, %broadcast_in_dim3A_55], %gather3A_53 : memref<512x20xf32, #tpu.memory_space<vmem>>[vector<16xi32>, vector<16xi32>], vector<16xf32>,
      %broadcast_in_dim3A_56 = arith.constant 6 : i32
      %broadcast_in_dim3A_57 = vector.broadcast %broadcast_in_dim3A_56 : i32 to vector<16xi32>
      %gather3A_58 = tpu.vector_load_idx %arg8[%broadcast_in_dim3A_57, %gather3A] : memref<10x133xf32, #tpu.memory_space<vmem>>[vector<16xi32>, vector<16xi32>], vector<16xf32>,
      %broadcast_in_dim3A_59 = arith.constant 6 : i32
      %broadcast_in_dim3A_60 = vector.broadcast %broadcast_in_dim3A_59 : i32 to vector<16xi32>
      tpu.vector_store_idx %arg11[%add3A_18, %broadcast_in_dim3A_60], %gather3A_58 : memref<512x20xf32, #tpu.memory_space<vmem>>[vector<16xi32>, vector<16xi32>], vector<16xf32>,
      %broadcast_in_dim3A_61 = arith.constant 7 : i32
      %broadcast_in_dim3A_62 = vector.broadcast %broadcast_in_dim3A_61 : i32 to vector<16xi32>
      %gather3A_63 = tpu.vector_load_idx %arg8[%broadcast_in_dim3A_62, %gather3A] : memref<10x133xf32, #tpu.memory_space<vmem>>[vector<16xi32>, vector<16xi32>], vector<16xf32>,
      %broadcast_in_dim3A_64 = arith.constant 7 : i32
      %broadcast_in_dim3A_65 = vector.broadcast %broadcast_in_dim3A_64 : i32 to vector<16xi32>
      tpu.vector_store_idx %arg11[%add3A_18, %broadcast_in_dim3A_65], %gather3A_63 : memref<512x20xf32, #tpu.memory_space<vmem>>[vector<16xi32>, vector<16xi32>], vector<16xf32>,
      %broadcast_in_dim3A_66 = arith.constant 8 : i32
      %broadcast_in_dim3A_67 = vector.broadcast %broadcast_in_dim3A_66 : i32 to vector<16xi32>
      %gather3A_68 = tpu.vector_load_idx %arg8[%broadcast_in_dim3A_67, %gather3A] : memref<10x133xf32, #tpu.memory_space<vmem>>[vector<16xi32>, vector<16xi32>], vector<16xf32>,
      %broadcast_in_dim3A_69 = arith.constant 8 : i32
      %broadcast_in_dim3A_70 = vector.broadcast %broadcast_in_dim3A_69 : i32 to vector<16xi32>
      tpu.vector_store_idx %arg11[%add3A_18, %broadcast_in_dim3A_70], %gather3A_68 : memref<512x20xf32, #tpu.memory_space<vmem>>[vector<16xi32>, vector<16xi32>], vector<16xf32>,
      %broadcast_in_dim3A_71 = arith.constant 9 : i32
      %broadcast_in_dim3A_72 = vector.broadcast %broadcast_in_dim3A_71 : i32 to vector<16xi32>
      %gather3A_73 = tpu.vector_load_idx %arg8[%broadcast_in_dim3A_72, %gather3A] : memref<10x133xf32, #tpu.memory_space<vmem>>[vector<16xi32>, vector<16xi32>], vector<16xf32>,
      %broadcast_in_dim3A_74 = arith.constant 9 : i32
      %broadcast_in_dim3A_75 = vector.broadcast %broadcast_in_dim3A_74 : i32 to vector<16xi32>
      tpu.vector_store_idx %arg11[%add3A_18, %broadcast_in_dim3A_75], %gather3A_73 : memref<512x20xf32, #tpu.memory_space<vmem>>[vector<16xi32>, vector<16xi32>], vector<16xf32>,
      %broadcast_in_dim3A_76 = arith.constant 0 : i32
      %broadcast_in_dim3A_77 = vector.broadcast %broadcast_in_dim3A_76 : i32 to vector<16xi32>
      %gather3A_78 = tpu.vector_load_idx %arg9[%broadcast_in_dim3A_77, %gather3A_22] : memref<6x13xf32, #tpu.memory_space<vmem>>[vector<16xi32>, vector<16xi32>], vector<16xf32>,
      %broadcast_in_dim3A_79 = arith.constant 10 : i32
      %broadcast_in_dim3A_80 = vector.broadcast %broadcast_in_dim3A_79 : i32 to vector<16xi32>
      tpu.vector_store_idx %arg11[%add3A_18, %broadcast_in_dim3A_80], %gather3A_78 : memref<512x20xf32, #tpu.memory_space<vmem>>[vector<16xi32>, vector<16xi32>], vector<16xf32>,
      %broadcast_in_dim3A_81 = arith.constant 1 : i32
      %broadcast_in_dim3A_82 = vector.broadcast %broadcast_in_dim3A_81 : i32 to vector<16xi32>
      %gather3A_83 = tpu.vector_load_idx %arg9[%broadcast_in_dim3A_82, %gather3A_22] : memref<6x13xf32, #tpu.memory_space<vmem>>[vector<16xi32>, vector<16xi32>], vector<16xf32>,
      %broadcast_in_dim3A_84 = arith.constant 11 : i32
      %broadcast_in_dim3A_85 = vector.broadcast %broadcast_in_dim3A_84 : i32 to vector<16xi32>
      tpu.vector_store_idx %arg11[%add3A_18, %broadcast_in_dim3A_85], %gather3A_83 : memref<512x20xf32, #tpu.memory_space<vmem>>[vector<16xi32>, vector<16xi32>], vector<16xf32>,
      %broadcast_in_dim3A_86 = arith.constant 2 : i32
      %broadcast_in_dim3A_87 = vector.broadcast %broadcast_in_dim3A_86 : i32 to vector<16xi32>
      %gather3A_88 = tpu.vector_load_idx %arg9[%broadcast_in_dim3A_87, %gather3A_22] : memref<6x13xf32, #tpu.memory_space<vmem>>[vector<16xi32>, vector<16xi32>], vector<16xf32>,
      %broadcast_in_dim3A_89 = arith.constant 12 : i32
      %broadcast_in_dim3A_90 = vector.broadcast %broadcast_in_dim3A_89 : i32 to vector<16xi32>
      tpu.vector_store_idx %arg11[%add3A_18, %broadcast_in_dim3A_90], %gather3A_88 : memref<512x20xf32, #tpu.memory_space<vmem>>[vector<16xi32>, vector<16xi32>], vector<16xf32>,
      %broadcast_in_dim3A_91 = arith.constant 3 : i32
      %broadcast_in_dim3A_92 = vector.broadcast %broadcast_in_dim3A_91 : i32 to vector<16xi32>
      %gather3A_93 = tpu.vector_load_idx %arg9[%broadcast_in_dim3A_92, %gather3A_22] : memref<6x13xf32, #tpu.memory_space<vmem>>[vector<16xi32>, vector<16xi32>], vector<16xf32>,
      %broadcast_in_dim3A_94 = arith.constant 13 : i32
      %broadcast_in_dim3A_95 = vector.broadcast %broadcast_in_dim3A_94 : i32 to vector<16xi32>
      tpu.vector_store_idx %arg11[%add3A_18, %broadcast_in_dim3A_95], %gather3A_93 : memref<512x20xf32, #tpu.memory_space<vmem>>[vector<16xi32>, vector<16xi32>], vector<16xf32>,
      %broadcast_in_dim3A_96 = arith.constant 4 : i32
      %broadcast_in_dim3A_97 = vector.broadcast %broadcast_in_dim3A_96 : i32 to vector<16xi32>
      %gather3A_98 = tpu.vector_load_idx %arg9[%broadcast_in_dim3A_97, %gather3A_22] : memref<6x13xf32, #tpu.memory_space<vmem>>[vector<16xi32>, vector<16xi32>], vector<16xf32>,
      %broadcast_in_dim3A_99 = arith.constant 14 : i32
      %broadcast_in_dim3A_100 = vector.broadcast %broadcast_in_dim3A_99 : i32 to vector<16xi32>
      tpu.vector_store_idx %arg11[%add3A_18, %broadcast_in_dim3A_100], %gather3A_98 : memref<512x20xf32, #tpu.memory_space<vmem>>[vector<16xi32>, vector<16xi32>], vector<16xf32>,
      %broadcast_in_dim3A_101 = arith.constant 5 : i32
      %broadcast_in_dim3A_102 = vector.broadcast %broadcast_in_dim3A_101 : i32 to vector<16xi32>
      %gather3A_103 = tpu.vector_load_idx %arg9[%broadcast_in_dim3A_102, %gather3A_22] : memref<6x13xf32, #tpu.memory_space<vmem>>[vector<16xi32>, vector<16xi32>], vector<16xf32>,
      %broadcast_in_dim3A_104 = arith.constant 15 : i32
      %broadcast_in_dim3A_105 = vector.broadcast %broadcast_in_dim3A_104 : i32 to vector<16xi32>
      tpu.vector_store_idx %arg11[%add3A_18, %broadcast_in_dim3A_105], %gather3A_103 : memref<512x20xf32, #tpu.memory_space<vmem>>[vector<16xi32>, vector<16xi32>], vector<16xf32>,
      %broadcast_in_dim3A_106 = arith.constant 0 : i32
      %broadcast_in_dim3A_107 = vector.broadcast %broadcast_in_dim3A_106 : i32 to vector<16xi32>
      %gather3A_108 = tpu.vector_load_idx %arg10[%broadcast_in_dim3A_107, %gather3A_25] : memref<4x9xf32, #tpu.memory_space<vmem>>[vector<16xi32>, vector<16xi32>], vector<16xf32>,
      %broadcast_in_dim3A_109 = arith.constant 16 : i32
      %broadcast_in_dim3A_110 = vector.broadcast %broadcast_in_dim3A_109 : i32 to vector<16xi32>
      tpu.vector_store_idx %arg11[%add3A_18, %broadcast_in_dim3A_110], %gather3A_108 : memref<512x20xf32, #tpu.memory_space<vmem>>[vector<16xi32>, vector<16xi32>], vector<16xf32>,
      %broadcast_in_dim3A_111 = arith.constant 1 : i32
      %broadcast_in_dim3A_112 = vector.broadcast %broadcast_in_dim3A_111 : i32 to vector<16xi32>
      %gather3A_113 = tpu.vector_load_idx %arg10[%broadcast_in_dim3A_112, %gather3A_25] : memref<4x9xf32, #tpu.memory_space<vmem>>[vector<16xi32>, vector<16xi32>], vector<16xf32>,
      %broadcast_in_dim3A_114 = arith.constant 17 : i32
      %broadcast_in_dim3A_115 = vector.broadcast %broadcast_in_dim3A_114 : i32 to vector<16xi32>
      tpu.vector_store_idx %arg11[%add3A_18, %broadcast_in_dim3A_115], %gather3A_113 : memref<512x20xf32, #tpu.memory_space<vmem>>[vector<16xi32>, vector<16xi32>], vector<16xf32>,
      %broadcast_in_dim3A_116 = arith.constant 2 : i32
      %broadcast_in_dim3A_117 = vector.broadcast %broadcast_in_dim3A_116 : i32 to vector<16xi32>
      %gather3A_118 = tpu.vector_load_idx %arg10[%broadcast_in_dim3A_117, %gather3A_25] : memref<4x9xf32, #tpu.memory_space<vmem>>[vector<16xi32>, vector<16xi32>], vector<16xf32>,
      %broadcast_in_dim3A_119 = arith.constant 18 : i32
      %broadcast_in_dim3A_120 = vector.broadcast %broadcast_in_dim3A_119 : i32 to vector<16xi32>
      tpu.vector_store_idx %arg11[%add3A_18, %broadcast_in_dim3A_120], %gather3A_118 : memref<512x20xf32, #tpu.memory_space<vmem>>[vector<16xi32>, vector<16xi32>], vector<16xf32>,
      %broadcast_in_dim3A_121 = arith.constant 3 : i32
      %broadcast_in_dim3A_122 = vector.broadcast %broadcast_in_dim3A_121 : i32 to vector<16xi32>
      %gather3A_123 = tpu.vector_load_idx %arg10[%broadcast_in_dim3A_122, %gather3A_25] : memref<4x9xf32, #tpu.memory_space<vmem>>[vector<16xi32>, vector<16xi32>], vector<16xf32>,
      %broadcast_in_dim3A_124 = arith.constant 19 : i32
      %broadcast_in_dim3A_125 = vector.broadcast %broadcast_in_dim3A_124 : i32 to vector<16xi32>
      tpu.vector_store_idx %arg11[%add3A_18, %broadcast_in_dim3A_125], %gather3A_123 : memref<512x20xf32, #tpu.memory_space<vmem>>[vector<16xi32>, vector<16xi32>], vector<16xf32>,
      %scan3A_126 = arith.constant 1 : i32
      %scan3A_127 = arith.addi %scan3A_14, %scan3A_126 : i32
      %mul3A_128 = arith.constant 16 : i32
      %mul3A_129 = arith.muli %scan3A_127, %mul3A_128 : i32
      %add3A_130 = vector.broadcast %mul3A_129 : i32 to vector<16xi32>
      %add3A_131 = arith.addi %add3A_130, %iota3A : vector<16xi32>
      %broadcast_in_dim3A_132 = arith.constant 0 : i32
      %broadcast_in_dim3A_133 = vector.broadcast %broadcast_in_dim3A_132 : i32 to vector<16xi32>
      %gather3A_134 = tpu.vector_load_idx %arg7[%broadcast_in_dim3A_133, %add3A_131] : memref<3x512xi32, #tpu.memory_space<vmem>>[vector<16xi32>, vector<16xi32>], vector<16xi32>,
      %broadcast_in_dim3A_135 = arith.constant 1 : i32
      %broadcast_in_dim3A_136 = vector.broadcast %broadcast_in_dim3A_135 : i32 to vector<16xi32>
      %gather3A_137 = tpu.vector_load_idx %arg7[%broadcast_in_dim3A_136, %add3A_131] : memref<3x512xi32, #tpu.memory_space<vmem>>[vector<16xi32>, vector<16xi32>], vector<16xi32>,
      %broadcast_in_dim3A_138 = arith.constant 2 : i32
      %broadcast_in_dim3A_139 = vector.broadcast %broadcast_in_dim3A_138 : i32 to vector<16xi32>
      %gather3A_140 = tpu.vector_load_idx %arg7[%broadcast_in_dim3A_139, %add3A_131] : memref<3x512xi32, #tpu.memory_space<vmem>>[vector<16xi32>, vector<16xi32>], vector<16xi32>,
      %broadcast_in_dim3A_141 = arith.constant 0 : i32
      %broadcast_in_dim3A_142 = vector.broadcast %broadcast_in_dim3A_141 : i32 to vector<16xi32>
      %gather3A_143 = tpu.vector_load_idx %arg8[%broadcast_in_dim3A_142, %gather3A_134] : memref<10x133xf32, #tpu.memory_space<vmem>>[vector<16xi32>, vector<16xi32>], vector<16xf32>,
      %broadcast_in_dim3A_144 = arith.constant 0 : i32
      %broadcast_in_dim3A_145 = vector.broadcast %broadcast_in_dim3A_144 : i32 to vector<16xi32>
      tpu.vector_store_idx %arg11[%add3A_131, %broadcast_in_dim3A_145], %gather3A_143 : memref<512x20xf32, #tpu.memory_space<vmem>>[vector<16xi32>, vector<16xi32>], vector<16xf32>,
      %broadcast_in_dim3A_146 = arith.constant 1 : i32
      %broadcast_in_dim3A_147 = vector.broadcast %broadcast_in_dim3A_146 : i32 to vector<16xi32>
      %gather3A_148 = tpu.vector_load_idx %arg8[%broadcast_in_dim3A_147, %gather3A_134] : memref<10x133xf32, #tpu.memory_space<vmem>>[vector<16xi32>, vector<16xi32>], vector<16xf32>,
      %broadcast_in_dim3A_149 = arith.constant 1 : i32
      %broadcast_in_dim3A_150 = vector.broadcast %broadcast_in_dim3A_149 : i32 to vector<16xi32>
      tpu.vector_store_idx %arg11[%add3A_131, %broadcast_in_dim3A_150], %gather3A_148 : memref<512x20xf32, #tpu.memory_space<vmem>>[vector<16xi32>, vector<16xi32>], vector<16xf32>,
      %broadcast_in_dim3A_151 = arith.constant 2 : i32
      %broadcast_in_dim3A_152 = vector.broadcast %broadcast_in_dim3A_151 : i32 to vector<16xi32>
      %gather3A_153 = tpu.vector_load_idx %arg8[%broadcast_in_dim3A_152, %gather3A_134] : memref<10x133xf32, #tpu.memory_space<vmem>>[vector<16xi32>, vector<16xi32>], vector<16xf32>,
      %broadcast_in_dim3A_154 = arith.constant 2 : i32
      %broadcast_in_dim3A_155 = vector.broadcast %broadcast_in_dim3A_154 : i32 to vector<16xi32>
      tpu.vector_store_idx %arg11[%add3A_131, %broadcast_in_dim3A_155], %gather3A_153 : memref<512x20xf32, #tpu.memory_space<vmem>>[vector<16xi32>, vector<16xi32>], vector<16xf32>,
      %broadcast_in_dim3A_156 = arith.constant 3 : i32
      %broadcast_in_dim3A_157 = vector.broadcast %broadcast_in_dim3A_156 : i32 to vector<16xi32>
      %gather3A_158 = tpu.vector_load_idx %arg8[%broadcast_in_dim3A_157, %gather3A_134] : memref<10x133xf32, #tpu.memory_space<vmem>>[vector<16xi32>, vector<16xi32>], vector<16xf32>,
      %broadcast_in_dim3A_159 = arith.constant 3 : i32
      %broadcast_in_dim3A_160 = vector.broadcast %broadcast_in_dim3A_159 : i32 to vector<16xi32>
      tpu.vector_store_idx %arg11[%add3A_131, %broadcast_in_dim3A_160], %gather3A_158 : memref<512x20xf32, #tpu.memory_space<vmem>>[vector<16xi32>, vector<16xi32>], vector<16xf32>,
      %broadcast_in_dim3A_161 = arith.constant 4 : i32
      %broadcast_in_dim3A_162 = vector.broadcast %broadcast_in_dim3A_161 : i32 to vector<16xi32>
      %gather3A_163 = tpu.vector_load_idx %arg8[%broadcast_in_dim3A_162, %gather3A_134] : memref<10x133xf32, #tpu.memory_space<vmem>>[vector<16xi32>, vector<16xi32>], vector<16xf32>,
      %broadcast_in_dim3A_164 = arith.constant 4 : i32
      %broadcast_in_dim3A_165 = vector.broadcast %broadcast_in_dim3A_164 : i32 to vector<16xi32>
      tpu.vector_store_idx %arg11[%add3A_131, %broadcast_in_dim3A_165], %gather3A_163 : memref<512x20xf32, #tpu.memory_space<vmem>>[vector<16xi32>, vector<16xi32>], vector<16xf32>,
      %broadcast_in_dim3A_166 = arith.constant 5 : i32
      %broadcast_in_dim3A_167 = vector.broadcast %broadcast_in_dim3A_166 : i32 to vector<16xi32>
      %gather3A_168 = tpu.vector_load_idx %arg8[%broadcast_in_dim3A_167, %gather3A_134] : memref<10x133xf32, #tpu.memory_space<vmem>>[vector<16xi32>, vector<16xi32>], vector<16xf32>,
      %broadcast_in_dim3A_169 = arith.constant 5 : i32
      %broadcast_in_dim3A_170 = vector.broadcast %broadcast_in_dim3A_169 : i32 to vector<16xi32>
      tpu.vector_store_idx %arg11[%add3A_131, %broadcast_in_dim3A_170], %gather3A_168 : memref<512x20xf32, #tpu.memory_space<vmem>>[vector<16xi32>, vector<16xi32>], vector<16xf32>,
      %broadcast_in_dim3A_171 = arith.constant 6 : i32
      %broadcast_in_dim3A_172 = vector.broadcast %broadcast_in_dim3A_171 : i32 to vector<16xi32>
      %gather3A_173 = tpu.vector_load_idx %arg8[%broadcast_in_dim3A_172, %gather3A_134] : memref<10x133xf32, #tpu.memory_space<vmem>>[vector<16xi32>, vector<16xi32>], vector<16xf32>,
      %broadcast_in_dim3A_174 = arith.constant 6 : i32
      %broadcast_in_dim3A_175 = vector.broadcast %broadcast_in_dim3A_174 : i32 to vector<16xi32>
      tpu.vector_store_idx %arg11[%add3A_131, %broadcast_in_dim3A_175], %gather3A_173 : memref<512x20xf32, #tpu.memory_space<vmem>>[vector<16xi32>, vector<16xi32>], vector<16xf32>,
      %broadcast_in_dim3A_176 = arith.constant 7 : i32
      %broadcast_in_dim3A_177 = vector.broadcast %broadcast_in_dim3A_176 : i32 to vector<16xi32>
      %gather3A_178 = tpu.vector_load_idx %arg8[%broadcast_in_dim3A_177, %gather3A_134] : memref<10x133xf32, #tpu.memory_space<vmem>>[vector<16xi32>, vector<16xi32>], vector<16xf32>,
      %broadcast_in_dim3A_179 = arith.constant 7 : i32
      %broadcast_in_dim3A_180 = vector.broadcast %broadcast_in_dim3A_179 : i32 to vector<16xi32>
      tpu.vector_store_idx %arg11[%add3A_131, %broadcast_in_dim3A_180], %gather3A_178 : memref<512x20xf32, #tpu.memory_space<vmem>>[vector<16xi32>, vector<16xi32>], vector<16xf32>,
      %broadcast_in_dim3A_181 = arith.constant 8 : i32
      %broadcast_in_dim3A_182 = vector.broadcast %broadcast_in_dim3A_181 : i32 to vector<16xi32>
      %gather3A_183 = tpu.vector_load_idx %arg8[%broadcast_in_dim3A_182, %gather3A_134] : memref<10x133xf32, #tpu.memory_space<vmem>>[vector<16xi32>, vector<16xi32>], vector<16xf32>,
      %broadcast_in_dim3A_184 = arith.constant 8 : i32
      %broadcast_in_dim3A_185 = vector.broadcast %broadcast_in_dim3A_184 : i32 to vector<16xi32>
      tpu.vector_store_idx %arg11[%add3A_131, %broadcast_in_dim3A_185], %gather3A_183 : memref<512x20xf32, #tpu.memory_space<vmem>>[vector<16xi32>, vector<16xi32>], vector<16xf32>,
      %broadcast_in_dim3A_186 = arith.constant 9 : i32
      %broadcast_in_dim3A_187 = vector.broadcast %broadcast_in_dim3A_186 : i32 to vector<16xi32>
      %gather3A_188 = tpu.vector_load_idx %arg8[%broadcast_in_dim3A_187, %gather3A_134] : memref<10x133xf32, #tpu.memory_space<vmem>>[vector<16xi32>, vector<16xi32>], vector<16xf32>,
      %broadcast_in_dim3A_189 = arith.constant 9 : i32
      %broadcast_in_dim3A_190 = vector.broadcast %broadcast_in_dim3A_189 : i32 to vector<16xi32>
      tpu.vector_store_idx %arg11[%add3A_131, %broadcast_in_dim3A_190], %gather3A_188 : memref<512x20xf32, #tpu.memory_space<vmem>>[vector<16xi32>, vector<16xi32>], vector<16xf32>,
      %broadcast_in_dim3A_191 = arith.constant 0 : i32
      %broadcast_in_dim3A_192 = vector.broadcast %broadcast_in_dim3A_191 : i32 to vector<16xi32>
      %gather3A_193 = tpu.vector_load_idx %arg9[%broadcast_in_dim3A_192, %gather3A_137] : memref<6x13xf32, #tpu.memory_space<vmem>>[vector<16xi32>, vector<16xi32>], vector<16xf32>,
      %broadcast_in_dim3A_194 = arith.constant 10 : i32
      %broadcast_in_dim3A_195 = vector.broadcast %broadcast_in_dim3A_194 : i32 to vector<16xi32>
      tpu.vector_store_idx %arg11[%add3A_131, %broadcast_in_dim3A_195], %gather3A_193 : memref<512x20xf32, #tpu.memory_space<vmem>>[vector<16xi32>, vector<16xi32>], vector<16xf32>,
      %broadcast_in_dim3A_196 = arith.constant 1 : i32
      %broadcast_in_dim3A_197 = vector.broadcast %broadcast_in_dim3A_196 : i32 to vector<16xi32>
      %gather3A_198 = tpu.vector_load_idx %arg9[%broadcast_in_dim3A_197, %gather3A_137] : memref<6x13xf32, #tpu.memory_space<vmem>>[vector<16xi32>, vector<16xi32>], vector<16xf32>,
      %broadcast_in_dim3A_199 = arith.constant 11 : i32
      %broadcast_in_dim3A_200 = vector.broadcast %broadcast_in_dim3A_199 : i32 to vector<16xi32>
      tpu.vector_store_idx %arg11[%add3A_131, %broadcast_in_dim3A_200], %gather3A_198 : memref<512x20xf32, #tpu.memory_space<vmem>>[vector<16xi32>, vector<16xi32>], vector<16xf32>,
      %broadcast_in_dim3A_201 = arith.constant 2 : i32
      %broadcast_in_dim3A_202 = vector.broadcast %broadcast_in_dim3A_201 : i32 to vector<16xi32>
      %gather3A_203 = tpu.vector_load_idx %arg9[%broadcast_in_dim3A_202, %gather3A_137] : memref<6x13xf32, #tpu.memory_space<vmem>>[vector<16xi32>, vector<16xi32>], vector<16xf32>,
      %broadcast_in_dim3A_204 = arith.constant 12 : i32
      %broadcast_in_dim3A_205 = vector.broadcast %broadcast_in_dim3A_204 : i32 to vector<16xi32>
      tpu.vector_store_idx %arg11[%add3A_131, %broadcast_in_dim3A_205], %gather3A_203 : memref<512x20xf32, #tpu.memory_space<vmem>>[vector<16xi32>, vector<16xi32>], vector<16xf32>,
      %broadcast_in_dim3A_206 = arith.constant 3 : i32
      %broadcast_in_dim3A_207 = vector.broadcast %broadcast_in_dim3A_206 : i32 to vector<16xi32>
      %gather3A_208 = tpu.vector_load_idx %arg9[%broadcast_in_dim3A_207, %gather3A_137] : memref<6x13xf32, #tpu.memory_space<vmem>>[vector<16xi32>, vector<16xi32>], vector<16xf32>,
      %broadcast_in_dim3A_209 = arith.constant 13 : i32
      %broadcast_in_dim3A_210 = vector.broadcast %broadcast_in_dim3A_209 : i32 to vector<16xi32>
      tpu.vector_store_idx %arg11[%add3A_131, %broadcast_in_dim3A_210], %gather3A_208 : memref<512x20xf32, #tpu.memory_space<vmem>>[vector<16xi32>, vector<16xi32>], vector<16xf32>,
      %broadcast_in_dim3A_211 = arith.constant 4 : i32
      %broadcast_in_dim3A_212 = vector.broadcast %broadcast_in_dim3A_211 : i32 to vector<16xi32>
      %gather3A_213 = tpu.vector_load_idx %arg9[%broadcast_in_dim3A_212, %gather3A_137] : memref<6x13xf32, #tpu.memory_space<vmem>>[vector<16xi32>, vector<16xi32>], vector<16xf32>,
      %broadcast_in_dim3A_214 = arith.constant 14 : i32
      %broadcast_in_dim3A_215 = vector.broadcast %broadcast_in_dim3A_214 : i32 to vector<16xi32>
      tpu.vector_store_idx %arg11[%add3A_131, %broadcast_in_dim3A_215], %gather3A_213 : memref<512x20xf32, #tpu.memory_space<vmem>>[vector<16xi32>, vector<16xi32>], vector<16xf32>,
      %broadcast_in_dim3A_216 = arith.constant 5 : i32
      %broadcast_in_dim3A_217 = vector.broadcast %broadcast_in_dim3A_216 : i32 to vector<16xi32>
      %gather3A_218 = tpu.vector_load_idx %arg9[%broadcast_in_dim3A_217, %gather3A_137] : memref<6x13xf32, #tpu.memory_space<vmem>>[vector<16xi32>, vector<16xi32>], vector<16xf32>,
      %broadcast_in_dim3A_219 = arith.constant 15 : i32
      %broadcast_in_dim3A_220 = vector.broadcast %broadcast_in_dim3A_219 : i32 to vector<16xi32>
      tpu.vector_store_idx %arg11[%add3A_131, %broadcast_in_dim3A_220], %gather3A_218 : memref<512x20xf32, #tpu.memory_space<vmem>>[vector<16xi32>, vector<16xi32>], vector<16xf32>,
      %broadcast_in_dim3A_221 = arith.constant 0 : i32
      %broadcast_in_dim3A_222 = vector.broadcast %broadcast_in_dim3A_221 : i32 to vector<16xi32>
      %gather3A_223 = tpu.vector_load_idx %arg10[%broadcast_in_dim3A_222, %gather3A_140] : memref<4x9xf32, #tpu.memory_space<vmem>>[vector<16xi32>, vector<16xi32>], vector<16xf32>,
      %broadcast_in_dim3A_224 = arith.constant 16 : i32
      %broadcast_in_dim3A_225 = vector.broadcast %broadcast_in_dim3A_224 : i32 to vector<16xi32>
      tpu.vector_store_idx %arg11[%add3A_131, %broadcast_in_dim3A_225], %gather3A_223 : memref<512x20xf32, #tpu.memory_space<vmem>>[vector<16xi32>, vector<16xi32>], vector<16xf32>,
      %broadcast_in_dim3A_226 = arith.constant 1 : i32
      %broadcast_in_dim3A_227 = vector.broadcast %broadcast_in_dim3A_226 : i32 to vector<16xi32>
      %gather3A_228 = tpu.vector_load_idx %arg10[%broadcast_in_dim3A_227, %gather3A_140] : memref<4x9xf32, #tpu.memory_space<vmem>>[vector<16xi32>, vector<16xi32>], vector<16xf32>,
      %broadcast_in_dim3A_229 = arith.constant 17 : i32
      %broadcast_in_dim3A_230 = vector.broadcast %broadcast_in_dim3A_229 : i32 to vector<16xi32>
      tpu.vector_store_idx %arg11[%add3A_131, %broadcast_in_dim3A_230], %gather3A_228 : memref<512x20xf32, #tpu.memory_space<vmem>>[vector<16xi32>, vector<16xi32>], vector<16xf32>,
      %broadcast_in_dim3A_231 = arith.constant 2 : i32
      %broadcast_in_dim3A_232 = vector.broadcast %broadcast_in_dim3A_231 : i32 to vector<16xi32>
      %gather3A_233 = tpu.vector_load_idx %arg10[%broadcast_in_dim3A_232, %gather3A_140] : memref<4x9xf32, #tpu.memory_space<vmem>>[vector<16xi32>, vector<16xi32>], vector<16xf32>,
      %broadcast_in_dim3A_234 = arith.constant 18 : i32
      %broadcast_in_dim3A_235 = vector.broadcast %broadcast_in_dim3A_234 : i32 to vector<16xi32>
      tpu.vector_store_idx %arg11[%add3A_131, %broadcast_in_dim3A_235], %gather3A_233 : memref<512x20xf32, #tpu.memory_space<vmem>>[vector<16xi32>, vector<16xi32>], vector<16xf32>,
      %broadcast_in_dim3A_236 = arith.constant 3 : i32
      %broadcast_in_dim3A_237 = vector.broadcast %broadcast_in_dim3A_236 : i32 to vector<16xi32>
      %gather3A_238 = tpu.vector_load_idx %arg10[%broadcast_in_dim3A_237, %gather3A_140] : memref<4x9xf32, #tpu.memory_space<vmem>>[vector<16xi32>, vector<16xi32>], vector<16xf32>,
      %broadcast_in_dim3A_239 = arith.constant 19 : i32
      %broadcast_in_dim3A_240 = vector.broadcast %broadcast_in_dim3A_239 : i32 to vector<16xi32>
      tpu.vector_store_idx %arg11[%add3A_131, %broadcast_in_dim3A_240], %gather3A_238 : memref<512x20xf32, #tpu.memory_space<vmem>>[vector<16xi32>, vector<16xi32>], vector<16xf32>,
      %scan3A_241 = arith.constant 2 : i32
      %scan3A_242 = arith.addi %scan3A_14, %scan3A_241 : i32
      %mul3A_243 = arith.constant 16 : i32
      %mul3A_244 = arith.muli %scan3A_242, %mul3A_243 : i32
      %add3A_245 = vector.broadcast %mul3A_244 : i32 to vector<16xi32>
      %add3A_246 = arith.addi %add3A_245, %iota3A : vector<16xi32>
      %broadcast_in_dim3A_247 = arith.constant 0 : i32
      %broadcast_in_dim3A_248 = vector.broadcast %broadcast_in_dim3A_247 : i32 to vector<16xi32>
      %gather3A_249 = tpu.vector_load_idx %arg7[%broadcast_in_dim3A_248, %add3A_246] : memref<3x512xi32, #tpu.memory_space<vmem>>[vector<16xi32>, vector<16xi32>], vector<16xi32>,
      %broadcast_in_dim3A_250 = arith.constant 1 : i32
      %broadcast_in_dim3A_251 = vector.broadcast %broadcast_in_dim3A_250 : i32 to vector<16xi32>
      %gather3A_252 = tpu.vector_load_idx %arg7[%broadcast_in_dim3A_251, %add3A_246] : memref<3x512xi32, #tpu.memory_space<vmem>>[vector<16xi32>, vector<16xi32>], vector<16xi32>,
      %broadcast_in_dim3A_253 = arith.constant 2 : i32
      %broadcast_in_dim3A_254 = vector.broadcast %broadcast_in_dim3A_253 : i32 to vector<16xi32>
      %gather3A_255 = tpu.vector_load_idx %arg7[%broadcast_in_dim3A_254, %add3A_246] : memref<3x512xi32, #tpu.memory_space<vmem>>[vector<16xi32>, vector<16xi32>], vector<16xi32>,
      %broadcast_in_dim3A_256 = arith.constant 0 : i32
      %broadcast_in_dim3A_257 = vector.broadcast %broadcast_in_dim3A_256 : i32 to vector<16xi32>
      %gather3A_258 = tpu.vector_load_idx %arg8[%broadcast_in_dim3A_257, %gather3A_249] : memref<10x133xf32, #tpu.memory_space<vmem>>[vector<16xi32>, vector<16xi32>], vector<16xf32>,
      %broadcast_in_dim3A_259 = arith.constant 0 : i32
      %broadcast_in_dim3A_260 = vector.broadcast %broadcast_in_dim3A_259 : i32 to vector<16xi32>
      tpu.vector_store_idx %arg11[%add3A_246, %broadcast_in_dim3A_260], %gather3A_258 : memref<512x20xf32, #tpu.memory_space<vmem>>[vector<16xi32>, vector<16xi32>], vector<16xf32>,
      %broadcast_in_dim3A_261 = arith.constant 1 : i32
      %broadcast_in_dim3A_262 = vector.broadcast %broadcast_in_dim3A_261 : i32 to vector<16xi32>
      %gather3A_263 = tpu.vector_load_idx %arg8[%broadcast_in_dim3A_262, %gather3A_249] : memref<10x133xf32, #tpu.memory_space<vmem>>[vector<16xi32>, vector<16xi32>], vector<16xf32>,
      %broadcast_in_dim3A_264 = arith.constant 1 : i32
      %broadcast_in_dim3A_265 = vector.broadcast %broadcast_in_dim3A_264 : i32 to vector<16xi32>
      tpu.vector_store_idx %arg11[%add3A_246, %broadcast_in_dim3A_265], %gather3A_263 : memref<512x20xf32, #tpu.memory_space<vmem>>[vector<16xi32>, vector<16xi32>], vector<16xf32>,
      %broadcast_in_dim3A_266 = arith.constant 2 : i32
      %broadcast_in_dim3A_267 = vector.broadcast %broadcast_in_dim3A_266 : i32 to vector<16xi32>
      %gather3A_268 = tpu.vector_load_idx %arg8[%broadcast_in_dim3A_267, %gather3A_249] : memref<10x133xf32, #tpu.memory_space<vmem>>[vector<16xi32>, vector<16xi32>], vector<16xf32>,
      %broadcast_in_dim3A_269 = arith.constant 2 : i32
      %broadcast_in_dim3A_270 = vector.broadcast %broadcast_in_dim3A_269 : i32 to vector<16xi32>
      tpu.vector_store_idx %arg11[%add3A_246, %broadcast_in_dim3A_270], %gather3A_268 : memref<512x20xf32, #tpu.memory_space<vmem>>[vector<16xi32>, vector<16xi32>], vector<16xf32>,
      %broadcast_in_dim3A_271 = arith.constant 3 : i32
      %broadcast_in_dim3A_272 = vector.broadcast %broadcast_in_dim3A_271 : i32 to vector<16xi32>
      %gather3A_273 = tpu.vector_load_idx %arg8[%broadcast_in_dim3A_272, %gather3A_249] : memref<10x133xf32, #tpu.memory_space<vmem>>[vector<16xi32>, vector<16xi32>], vector<16xf32>,
      %broadcast_in_dim3A_274 = arith.constant 3 : i32
      %broadcast_in_dim3A_275 = vector.broadcast %broadcast_in_dim3A_274 : i32 to vector<16xi32>
      tpu.vector_store_idx %arg11[%add3A_246, %broadcast_in_dim3A_275], %gather3A_273 : memref<512x20xf32, #tpu.memory_space<vmem>>[vector<16xi32>, vector<16xi32>], vector<16xf32>,
      %broadcast_in_dim3A_276 = arith.constant 4 : i32
      %broadcast_in_dim3A_277 = vector.broadcast %broadcast_in_dim3A_276 : i32 to vector<16xi32>
      %gather3A_278 = tpu.vector_load_idx %arg8[%broadcast_in_dim3A_277, %gather3A_249] : memref<10x133xf32, #tpu.memory_space<vmem>>[vector<16xi32>, vector<16xi32>], vector<16xf32>,
      %broadcast_in_dim3A_279 = arith.constant 4 : i32
      %broadcast_in_dim3A_280 = vector.broadcast %broadcast_in_dim3A_279 : i32 to vector<16xi32>
      tpu.vector_store_idx %arg11[%add3A_246, %broadcast_in_dim3A_280], %gather3A_278 : memref<512x20xf32, #tpu.memory_space<vmem>>[vector<16xi32>, vector<16xi32>], vector<16xf32>,
      %broadcast_in_dim3A_281 = arith.constant 5 : i32
      %broadcast_in_dim3A_282 = vector.broadcast %broadcast_in_dim3A_281 : i32 to vector<16xi32>
      %gather3A_283 = tpu.vector_load_idx %arg8[%broadcast_in_dim3A_282, %gather3A_249] : memref<10x133xf32, #tpu.memory_space<vmem>>[vector<16xi32>, vector<16xi32>], vector<16xf32>,
      %broadcast_in_dim3A_284 = arith.constant 5 : i32
      %broadcast_in_dim3A_285 = vector.broadcast %broadcast_in_dim3A_284 : i32 to vector<16xi32>
      tpu.vector_store_idx %arg11[%add3A_246, %broadcast_in_dim3A_285], %gather3A_283 : memref<512x20xf32, #tpu.memory_space<vmem>>[vector<16xi32>, vector<16xi32>], vector<16xf32>,
      %broadcast_in_dim3A_286 = arith.constant 6 : i32
      %broadcast_in_dim3A_287 = vector.broadcast %broadcast_in_dim3A_286 : i32 to vector<16xi32>
      %gather3A_288 = tpu.vector_load_idx %arg8[%broadcast_in_dim3A_287, %gather3A_249] : memref<10x133xf32, #tpu.memory_space<vmem>>[vector<16xi32>, vector<16xi32>], vector<16xf32>,
      %broadcast_in_dim3A_289 = arith.constant 6 : i32
      %broadcast_in_dim3A_290 = vector.broadcast %broadcast_in_dim3A_289 : i32 to vector<16xi32>
      tpu.vector_store_idx %arg11[%add3A_246, %broadcast_in_dim3A_290], %gather3A_288 : memref<512x20xf32, #tpu.memory_space<vmem>>[vector<16xi32>, vector<16xi32>], vector<16xf32>,
      %broadcast_in_dim3A_291 = arith.constant 7 : i32
      %broadcast_in_dim3A_292 = vector.broadcast %broadcast_in_dim3A_291 : i32 to vector<16xi32>
      %gather3A_293 = tpu.vector_load_idx %arg8[%broadcast_in_dim3A_292, %gather3A_249] : memref<10x133xf32, #tpu.memory_space<vmem>>[vector<16xi32>, vector<16xi32>], vector<16xf32>,
      %broadcast_in_dim3A_294 = arith.constant 7 : i32
      %broadcast_in_dim3A_295 = vector.broadcast %broadcast_in_dim3A_294 : i32 to vector<16xi32>
      tpu.vector_store_idx %arg11[%add3A_246, %broadcast_in_dim3A_295], %gather3A_293 : memref<512x20xf32, #tpu.memory_space<vmem>>[vector<16xi32>, vector<16xi32>], vector<16xf32>,
      %broadcast_in_dim3A_296 = arith.constant 8 : i32
      %broadcast_in_dim3A_297 = vector.broadcast %broadcast_in_dim3A_296 : i32 to vector<16xi32>
      %gather3A_298 = tpu.vector_load_idx %arg8[%broadcast_in_dim3A_297, %gather3A_249] : memref<10x133xf32, #tpu.memory_space<vmem>>[vector<16xi32>, vector<16xi32>], vector<16xf32>,
      %broadcast_in_dim3A_299 = arith.constant 8 : i32
      %broadcast_in_dim3A_300 = vector.broadcast %broadcast_in_dim3A_299 : i32 to vector<16xi32>
      tpu.vector_store_idx %arg11[%add3A_246, %broadcast_in_dim3A_300], %gather3A_298 : memref<512x20xf32, #tpu.memory_space<vmem>>[vector<16xi32>, vector<16xi32>], vector<16xf32>,
      %broadcast_in_dim3A_301 = arith.constant 9 : i32
      %broadcast_in_dim3A_302 = vector.broadcast %broadcast_in_dim3A_301 : i32 to vector<16xi32>
      %gather3A_303 = tpu.vector_load_idx %arg8[%broadcast_in_dim3A_302, %gather3A_249] : memref<10x133xf32, #tpu.memory_space<vmem>>[vector<16xi32>, vector<16xi32>], vector<16xf32>,
      %broadcast_in_dim3A_304 = arith.constant 9 : i32
      %broadcast_in_dim3A_305 = vector.broadcast %broadcast_in_dim3A_304 : i32 to vector<16xi32>
      tpu.vector_store_idx %arg11[%add3A_246, %broadcast_in_dim3A_305], %gather3A_303 : memref<512x20xf32, #tpu.memory_space<vmem>>[vector<16xi32>, vector<16xi32>], vector<16xf32>,
      %broadcast_in_dim3A_306 = arith.constant 0 : i32
      %broadcast_in_dim3A_307 = vector.broadcast %broadcast_in_dim3A_306 : i32 to vector<16xi32>
      %gather3A_308 = tpu.vector_load_idx %arg9[%broadcast_in_dim3A_307, %gather3A_252] : memref<6x13xf32, #tpu.memory_space<vmem>>[vector<16xi32>, vector<16xi32>], vector<16xf32>,
      %broadcast_in_dim3A_309 = arith.constant 10 : i32
      %broadcast_in_dim3A_310 = vector.broadcast %broadcast_in_dim3A_309 : i32 to vector<16xi32>
      tpu.vector_store_idx %arg11[%add3A_246, %broadcast_in_dim3A_310], %gather3A_308 : memref<512x20xf32, #tpu.memory_space<vmem>>[vector<16xi32>, vector<16xi32>], vector<16xf32>,
      %broadcast_in_dim3A_311 = arith.constant 1 : i32
      %broadcast_in_dim3A_312 = vector.broadcast %broadcast_in_dim3A_311 : i32 to vector<16xi32>
      %gather3A_313 = tpu.vector_load_idx %arg9[%broadcast_in_dim3A_312, %gather3A_252] : memref<6x13xf32, #tpu.memory_space<vmem>>[vector<16xi32>, vector<16xi32>], vector<16xf32>,
      %broadcast_in_dim3A_314 = arith.constant 11 : i32
      %broadcast_in_dim3A_315 = vector.broadcast %broadcast_in_dim3A_314 : i32 to vector<16xi32>
      tpu.vector_store_idx %arg11[%add3A_246, %broadcast_in_dim3A_315], %gather3A_313 : memref<512x20xf32, #tpu.memory_space<vmem>>[vector<16xi32>, vector<16xi32>], vector<16xf32>,
      %broadcast_in_dim3A_316 = arith.constant 2 : i32
      %broadcast_in_dim3A_317 = vector.broadcast %broadcast_in_dim3A_316 : i32 to vector<16xi32>
      %gather3A_318 = tpu.vector_load_idx %arg9[%broadcast_in_dim3A_317, %gather3A_252] : memref<6x13xf32, #tpu.memory_space<vmem>>[vector<16xi32>, vector<16xi32>], vector<16xf32>,
      %broadcast_in_dim3A_319 = arith.constant 12 : i32
      %broadcast_in_dim3A_320 = vector.broadcast %broadcast_in_dim3A_319 : i32 to vector<16xi32>
      tpu.vector_store_idx %arg11[%add3A_246, %broadcast_in_dim3A_320], %gather3A_318 : memref<512x20xf32, #tpu.memory_space<vmem>>[vector<16xi32>, vector<16xi32>], vector<16xf32>,
      %broadcast_in_dim3A_321 = arith.constant 3 : i32
      %broadcast_in_dim3A_322 = vector.broadcast %broadcast_in_dim3A_321 : i32 to vector<16xi32>
      %gather3A_323 = tpu.vector_load_idx %arg9[%broadcast_in_dim3A_322, %gather3A_252] : memref<6x13xf32, #tpu.memory_space<vmem>>[vector<16xi32>, vector<16xi32>], vector<16xf32>,
      %broadcast_in_dim3A_324 = arith.constant 13 : i32
      %broadcast_in_dim3A_325 = vector.broadcast %broadcast_in_dim3A_324 : i32 to vector<16xi32>
      tpu.vector_store_idx %arg11[%add3A_246, %broadcast_in_dim3A_325], %gather3A_323 : memref<512x20xf32, #tpu.memory_space<vmem>>[vector<16xi32>, vector<16xi32>], vector<16xf32>,
      %broadcast_in_dim3A_326 = arith.constant 4 : i32
      %broadcast_in_dim3A_327 = vector.broadcast %broadcast_in_dim3A_326 : i32 to vector<16xi32>
      %gather3A_328 = tpu.vector_load_idx %arg9[%broadcast_in_dim3A_327, %gather3A_252] : memref<6x13xf32, #tpu.memory_space<vmem>>[vector<16xi32>, vector<16xi32>], vector<16xf32>,
      %broadcast_in_dim3A_329 = arith.constant 14 : i32
      %broadcast_in_dim3A_330 = vector.broadcast %broadcast_in_dim3A_329 : i32 to vector<16xi32>
      tpu.vector_store_idx %arg11[%add3A_246, %broadcast_in_dim3A_330], %gather3A_328 : memref<512x20xf32, #tpu.memory_space<vmem>>[vector<16xi32>, vector<16xi32>], vector<16xf32>,
      %broadcast_in_dim3A_331 = arith.constant 5 : i32
      %broadcast_in_dim3A_332 = vector.broadcast %broadcast_in_dim3A_331 : i32 to vector<16xi32>
      %gather3A_333 = tpu.vector_load_idx %arg9[%broadcast_in_dim3A_332, %gather3A_252] : memref<6x13xf32, #tpu.memory_space<vmem>>[vector<16xi32>, vector<16xi32>], vector<16xf32>,
      %broadcast_in_dim3A_334 = arith.constant 15 : i32
      %broadcast_in_dim3A_335 = vector.broadcast %broadcast_in_dim3A_334 : i32 to vector<16xi32>
      tpu.vector_store_idx %arg11[%add3A_246, %broadcast_in_dim3A_335], %gather3A_333 : memref<512x20xf32, #tpu.memory_space<vmem>>[vector<16xi32>, vector<16xi32>], vector<16xf32>,
      %broadcast_in_dim3A_336 = arith.constant 0 : i32
      %broadcast_in_dim3A_337 = vector.broadcast %broadcast_in_dim3A_336 : i32 to vector<16xi32>
      %gather3A_338 = tpu.vector_load_idx %arg10[%broadcast_in_dim3A_337, %gather3A_255] : memref<4x9xf32, #tpu.memory_space<vmem>>[vector<16xi32>, vector<16xi32>], vector<16xf32>,
      %broadcast_in_dim3A_339 = arith.constant 16 : i32
      %broadcast_in_dim3A_340 = vector.broadcast %broadcast_in_dim3A_339 : i32 to vector<16xi32>
      tpu.vector_store_idx %arg11[%add3A_246, %broadcast_in_dim3A_340], %gather3A_338 : memref<512x20xf32, #tpu.memory_space<vmem>>[vector<16xi32>, vector<16xi32>], vector<16xf32>,
      %broadcast_in_dim3A_341 = arith.constant 1 : i32
      %broadcast_in_dim3A_342 = vector.broadcast %broadcast_in_dim3A_341 : i32 to vector<16xi32>
      %gather3A_343 = tpu.vector_load_idx %arg10[%broadcast_in_dim3A_342, %gather3A_255] : memref<4x9xf32, #tpu.memory_space<vmem>>[vector<16xi32>, vector<16xi32>], vector<16xf32>,
      %broadcast_in_dim3A_344 = arith.constant 17 : i32
      %broadcast_in_dim3A_345 = vector.broadcast %broadcast_in_dim3A_344 : i32 to vector<16xi32>
      tpu.vector_store_idx %arg11[%add3A_246, %broadcast_in_dim3A_345], %gather3A_343 : memref<512x20xf32, #tpu.memory_space<vmem>>[vector<16xi32>, vector<16xi32>], vector<16xf32>,
      %broadcast_in_dim3A_346 = arith.constant 2 : i32
      %broadcast_in_dim3A_347 = vector.broadcast %broadcast_in_dim3A_346 : i32 to vector<16xi32>
      %gather3A_348 = tpu.vector_load_idx %arg10[%broadcast_in_dim3A_347, %gather3A_255] : memref<4x9xf32, #tpu.memory_space<vmem>>[vector<16xi32>, vector<16xi32>], vector<16xf32>,
      %broadcast_in_dim3A_349 = arith.constant 18 : i32
      %broadcast_in_dim3A_350 = vector.broadcast %broadcast_in_dim3A_349 : i32 to vector<16xi32>
      tpu.vector_store_idx %arg11[%add3A_246, %broadcast_in_dim3A_350], %gather3A_348 : memref<512x20xf32, #tpu.memory_space<vmem>>[vector<16xi32>, vector<16xi32>], vector<16xf32>,
      %broadcast_in_dim3A_351 = arith.constant 3 : i32
      %broadcast_in_dim3A_352 = vector.broadcast %broadcast_in_dim3A_351 : i32 to vector<16xi32>
      %gather3A_353 = tpu.vector_load_idx %arg10[%broadcast_in_dim3A_352, %gather3A_255] : memref<4x9xf32, #tpu.memory_space<vmem>>[vector<16xi32>, vector<16xi32>], vector<16xf32>,
      %broadcast_in_dim3A_354 = arith.constant 19 : i32
      %broadcast_in_dim3A_355 = vector.broadcast %broadcast_in_dim3A_354 : i32 to vector<16xi32>
      tpu.vector_store_idx %arg11[%add3A_246, %broadcast_in_dim3A_355], %gather3A_353 : memref<512x20xf32, #tpu.memory_space<vmem>>[vector<16xi32>, vector<16xi32>], vector<16xf32>,
      %scan3A_356 = arith.constant 3 : i32
      %scan3A_357 = arith.addi %scan3A_14, %scan3A_356 : i32
      %mul3A_358 = arith.constant 16 : i32
      %mul3A_359 = arith.muli %scan3A_357, %mul3A_358 : i32
      %add3A_360 = vector.broadcast %mul3A_359 : i32 to vector<16xi32>
      %add3A_361 = arith.addi %add3A_360, %iota3A : vector<16xi32>
      %broadcast_in_dim3A_362 = arith.constant 0 : i32
      %broadcast_in_dim3A_363 = vector.broadcast %broadcast_in_dim3A_362 : i32 to vector<16xi32>
      %gather3A_364 = tpu.vector_load_idx %arg7[%broadcast_in_dim3A_363, %add3A_361] : memref<3x512xi32, #tpu.memory_space<vmem>>[vector<16xi32>, vector<16xi32>], vector<16xi32>,
      %broadcast_in_dim3A_365 = arith.constant 1 : i32
      %broadcast_in_dim3A_366 = vector.broadcast %broadcast_in_dim3A_365 : i32 to vector<16xi32>
      %gather3A_367 = tpu.vector_load_idx %arg7[%broadcast_in_dim3A_366, %add3A_361] : memref<3x512xi32, #tpu.memory_space<vmem>>[vector<16xi32>, vector<16xi32>], vector<16xi32>,
      %broadcast_in_dim3A_368 = arith.constant 2 : i32
      %broadcast_in_dim3A_369 = vector.broadcast %broadcast_in_dim3A_368 : i32 to vector<16xi32>
      %gather3A_370 = tpu.vector_load_idx %arg7[%broadcast_in_dim3A_369, %add3A_361] : memref<3x512xi32, #tpu.memory_space<vmem>>[vector<16xi32>, vector<16xi32>], vector<16xi32>,
      %broadcast_in_dim3A_371 = arith.constant 0 : i32
      %broadcast_in_dim3A_372 = vector.broadcast %broadcast_in_dim3A_371 : i32 to vector<16xi32>
      %gather3A_373 = tpu.vector_load_idx %arg8[%broadcast_in_dim3A_372, %gather3A_364] : memref<10x133xf32, #tpu.memory_space<vmem>>[vector<16xi32>, vector<16xi32>], vector<16xf32>,
      %broadcast_in_dim3A_374 = arith.constant 0 : i32
      %broadcast_in_dim3A_375 = vector.broadcast %broadcast_in_dim3A_374 : i32 to vector<16xi32>
      tpu.vector_store_idx %arg11[%add3A_361, %broadcast_in_dim3A_375], %gather3A_373 : memref<512x20xf32, #tpu.memory_space<vmem>>[vector<16xi32>, vector<16xi32>], vector<16xf32>,
      %broadcast_in_dim3A_376 = arith.constant 1 : i32
      %broadcast_in_dim3A_377 = vector.broadcast %broadcast_in_dim3A_376 : i32 to vector<16xi32>
      %gather3A_378 = tpu.vector_load_idx %arg8[%broadcast_in_dim3A_377, %gather3A_364] : memref<10x133xf32, #tpu.memory_space<vmem>>[vector<16xi32>, vector<16xi32>], vector<16xf32>,
      %broadcast_in_dim3A_379 = arith.constant 1 : i32
      %broadcast_in_dim3A_380 = vector.broadcast %broadcast_in_dim3A_379 : i32 to vector<16xi32>
      tpu.vector_store_idx %arg11[%add3A_361, %broadcast_in_dim3A_380], %gather3A_378 : memref<512x20xf32, #tpu.memory_space<vmem>>[vector<16xi32>, vector<16xi32>], vector<16xf32>,
      %broadcast_in_dim3A_381 = arith.constant 2 : i32
      %broadcast_in_dim3A_382 = vector.broadcast %broadcast_in_dim3A_381 : i32 to vector<16xi32>
      %gather3A_383 = tpu.vector_load_idx %arg8[%broadcast_in_dim3A_382, %gather3A_364] : memref<10x133xf32, #tpu.memory_space<vmem>>[vector<16xi32>, vector<16xi32>], vector<16xf32>,
      %broadcast_in_dim3A_384 = arith.constant 2 : i32
      %broadcast_in_dim3A_385 = vector.broadcast %broadcast_in_dim3A_384 : i32 to vector<16xi32>
      tpu.vector_store_idx %arg11[%add3A_361, %broadcast_in_dim3A_385], %gather3A_383 : memref<512x20xf32, #tpu.memory_space<vmem>>[vector<16xi32>, vector<16xi32>], vector<16xf32>,
      %broadcast_in_dim3A_386 = arith.constant 3 : i32
      %broadcast_in_dim3A_387 = vector.broadcast %broadcast_in_dim3A_386 : i32 to vector<16xi32>
      %gather3A_388 = tpu.vector_load_idx %arg8[%broadcast_in_dim3A_387, %gather3A_364] : memref<10x133xf32, #tpu.memory_space<vmem>>[vector<16xi32>, vector<16xi32>], vector<16xf32>,
      %broadcast_in_dim3A_389 = arith.constant 3 : i32
      %broadcast_in_dim3A_390 = vector.broadcast %broadcast_in_dim3A_389 : i32 to vector<16xi32>
      tpu.vector_store_idx %arg11[%add3A_361, %broadcast_in_dim3A_390], %gather3A_388 : memref<512x20xf32, #tpu.memory_space<vmem>>[vector<16xi32>, vector<16xi32>], vector<16xf32>,
      %broadcast_in_dim3A_391 = arith.constant 4 : i32
      %broadcast_in_dim3A_392 = vector.broadcast %broadcast_in_dim3A_391 : i32 to vector<16xi32>
      %gather3A_393 = tpu.vector_load_idx %arg8[%broadcast_in_dim3A_392, %gather3A_364] : memref<10x133xf32, #tpu.memory_space<vmem>>[vector<16xi32>, vector<16xi32>], vector<16xf32>,
      %broadcast_in_dim3A_394 = arith.constant 4 : i32
      %broadcast_in_dim3A_395 = vector.broadcast %broadcast_in_dim3A_394 : i32 to vector<16xi32>
      tpu.vector_store_idx %arg11[%add3A_361, %broadcast_in_dim3A_395], %gather3A_393 : memref<512x20xf32, #tpu.memory_space<vmem>>[vector<16xi32>, vector<16xi32>], vector<16xf32>,
      %broadcast_in_dim3A_396 = arith.constant 5 : i32
      %broadcast_in_dim3A_397 = vector.broadcast %broadcast_in_dim3A_396 : i32 to vector<16xi32>
      %gather3A_398 = tpu.vector_load_idx %arg8[%broadcast_in_dim3A_397, %gather3A_364] : memref<10x133xf32, #tpu.memory_space<vmem>>[vector<16xi32>, vector<16xi32>], vector<16xf32>,
      %broadcast_in_dim3A_399 = arith.constant 5 : i32
      %broadcast_in_dim3A_400 = vector.broadcast %broadcast_in_dim3A_399 : i32 to vector<16xi32>
      tpu.vector_store_idx %arg11[%add3A_361, %broadcast_in_dim3A_400], %gather3A_398 : memref<512x20xf32, #tpu.memory_space<vmem>>[vector<16xi32>, vector<16xi32>], vector<16xf32>,
      %broadcast_in_dim3A_401 = arith.constant 6 : i32
      %broadcast_in_dim3A_402 = vector.broadcast %broadcast_in_dim3A_401 : i32 to vector<16xi32>
      %gather3A_403 = tpu.vector_load_idx %arg8[%broadcast_in_dim3A_402, %gather3A_364] : memref<10x133xf32, #tpu.memory_space<vmem>>[vector<16xi32>, vector<16xi32>], vector<16xf32>,
      %broadcast_in_dim3A_404 = arith.constant 6 : i32
      %broadcast_in_dim3A_405 = vector.broadcast %broadcast_in_dim3A_404 : i32 to vector<16xi32>
      tpu.vector_store_idx %arg11[%add3A_361, %broadcast_in_dim3A_405], %gather3A_403 : memref<512x20xf32, #tpu.memory_space<vmem>>[vector<16xi32>, vector<16xi32>], vector<16xf32>,
      %broadcast_in_dim3A_406 = arith.constant 7 : i32
      %broadcast_in_dim3A_407 = vector.broadcast %broadcast_in_dim3A_406 : i32 to vector<16xi32>
      %gather3A_408 = tpu.vector_load_idx %arg8[%broadcast_in_dim3A_407, %gather3A_364] : memref<10x133xf32, #tpu.memory_space<vmem>>[vector<16xi32>, vector<16xi32>], vector<16xf32>,
      %broadcast_in_dim3A_409 = arith.constant 7 : i32
      %broadcast_in_dim3A_410 = vector.broadcast %broadcast_in_dim3A_409 : i32 to vector<16xi32>
      tpu.vector_store_idx %arg11[%add3A_361, %broadcast_in_dim3A_410], %gather3A_408 : memref<512x20xf32, #tpu.memory_space<vmem>>[vector<16xi32>, vector<16xi32>], vector<16xf32>,
      %broadcast_in_dim3A_411 = arith.constant 8 : i32
      %broadcast_in_dim3A_412 = vector.broadcast %broadcast_in_dim3A_411 : i32 to vector<16xi32>
      %gather3A_413 = tpu.vector_load_idx %arg8[%broadcast_in_dim3A_412, %gather3A_364] : memref<10x133xf32, #tpu.memory_space<vmem>>[vector<16xi32>, vector<16xi32>], vector<16xf32>,
      %broadcast_in_dim3A_414 = arith.constant 8 : i32
      %broadcast_in_dim3A_415 = vector.broadcast %broadcast_in_dim3A_414 : i32 to vector<16xi32>
      tpu.vector_store_idx %arg11[%add3A_361, %broadcast_in_dim3A_415], %gather3A_413 : memref<512x20xf32, #tpu.memory_space<vmem>>[vector<16xi32>, vector<16xi32>], vector<16xf32>,
      %broadcast_in_dim3A_416 = arith.constant 9 : i32
      %broadcast_in_dim3A_417 = vector.broadcast %broadcast_in_dim3A_416 : i32 to vector<16xi32>
      %gather3A_418 = tpu.vector_load_idx %arg8[%broadcast_in_dim3A_417, %gather3A_364] : memref<10x133xf32, #tpu.memory_space<vmem>>[vector<16xi32>, vector<16xi32>], vector<16xf32>,
      %broadcast_in_dim3A_419 = arith.constant 9 : i32
      %broadcast_in_dim3A_420 = vector.broadcast %broadcast_in_dim3A_419 : i32 to vector<16xi32>
      tpu.vector_store_idx %arg11[%add3A_361, %broadcast_in_dim3A_420], %gather3A_418 : memref<512x20xf32, #tpu.memory_space<vmem>>[vector<16xi32>, vector<16xi32>], vector<16xf32>,
      %broadcast_in_dim3A_421 = arith.constant 0 : i32
      %broadcast_in_dim3A_422 = vector.broadcast %broadcast_in_dim3A_421 : i32 to vector<16xi32>
      %gather3A_423 = tpu.vector_load_idx %arg9[%broadcast_in_dim3A_422, %gather3A_367] : memref<6x13xf32, #tpu.memory_space<vmem>>[vector<16xi32>, vector<16xi32>], vector<16xf32>,
      %broadcast_in_dim3A_424 = arith.constant 10 : i32
      %broadcast_in_dim3A_425 = vector.broadcast %broadcast_in_dim3A_424 : i32 to vector<16xi32>
      tpu.vector_store_idx %arg11[%add3A_361, %broadcast_in_dim3A_425], %gather3A_423 : memref<512x20xf32, #tpu.memory_space<vmem>>[vector<16xi32>, vector<16xi32>], vector<16xf32>,
      %broadcast_in_dim3A_426 = arith.constant 1 : i32
      %broadcast_in_dim3A_427 = vector.broadcast %broadcast_in_dim3A_426 : i32 to vector<16xi32>
      %gather3A_428 = tpu.vector_load_idx %arg9[%broadcast_in_dim3A_427, %gather3A_367] : memref<6x13xf32, #tpu.memory_space<vmem>>[vector<16xi32>, vector<16xi32>], vector<16xf32>,
      %broadcast_in_dim3A_429 = arith.constant 11 : i32
      %broadcast_in_dim3A_430 = vector.broadcast %broadcast_in_dim3A_429 : i32 to vector<16xi32>
      tpu.vector_store_idx %arg11[%add3A_361, %broadcast_in_dim3A_430], %gather3A_428 : memref<512x20xf32, #tpu.memory_space<vmem>>[vector<16xi32>, vector<16xi32>], vector<16xf32>,
      %broadcast_in_dim3A_431 = arith.constant 2 : i32
      %broadcast_in_dim3A_432 = vector.broadcast %broadcast_in_dim3A_431 : i32 to vector<16xi32>
      %gather3A_433 = tpu.vector_load_idx %arg9[%broadcast_in_dim3A_432, %gather3A_367] : memref<6x13xf32, #tpu.memory_space<vmem>>[vector<16xi32>, vector<16xi32>], vector<16xf32>,
      %broadcast_in_dim3A_434 = arith.constant 12 : i32
      %broadcast_in_dim3A_435 = vector.broadcast %broadcast_in_dim3A_434 : i32 to vector<16xi32>
      tpu.vector_store_idx %arg11[%add3A_361, %broadcast_in_dim3A_435], %gather3A_433 : memref<512x20xf32, #tpu.memory_space<vmem>>[vector<16xi32>, vector<16xi32>], vector<16xf32>,
      %broadcast_in_dim3A_436 = arith.constant 3 : i32
      %broadcast_in_dim3A_437 = vector.broadcast %broadcast_in_dim3A_436 : i32 to vector<16xi32>
      %gather3A_438 = tpu.vector_load_idx %arg9[%broadcast_in_dim3A_437, %gather3A_367] : memref<6x13xf32, #tpu.memory_space<vmem>>[vector<16xi32>, vector<16xi32>], vector<16xf32>,
      %broadcast_in_dim3A_439 = arith.constant 13 : i32
      %broadcast_in_dim3A_440 = vector.broadcast %broadcast_in_dim3A_439 : i32 to vector<16xi32>
      tpu.vector_store_idx %arg11[%add3A_361, %broadcast_in_dim3A_440], %gather3A_438 : memref<512x20xf32, #tpu.memory_space<vmem>>[vector<16xi32>, vector<16xi32>], vector<16xf32>,
      %broadcast_in_dim3A_441 = arith.constant 4 : i32
      %broadcast_in_dim3A_442 = vector.broadcast %broadcast_in_dim3A_441 : i32 to vector<16xi32>
      %gather3A_443 = tpu.vector_load_idx %arg9[%broadcast_in_dim3A_442, %gather3A_367] : memref<6x13xf32, #tpu.memory_space<vmem>>[vector<16xi32>, vector<16xi32>], vector<16xf32>,
      %broadcast_in_dim3A_444 = arith.constant 14 : i32
      %broadcast_in_dim3A_445 = vector.broadcast %broadcast_in_dim3A_444 : i32 to vector<16xi32>
      tpu.vector_store_idx %arg11[%add3A_361, %broadcast_in_dim3A_445], %gather3A_443 : memref<512x20xf32, #tpu.memory_space<vmem>>[vector<16xi32>, vector<16xi32>], vector<16xf32>,
      %broadcast_in_dim3A_446 = arith.constant 5 : i32
      %broadcast_in_dim3A_447 = vector.broadcast %broadcast_in_dim3A_446 : i32 to vector<16xi32>
      %gather3A_448 = tpu.vector_load_idx %arg9[%broadcast_in_dim3A_447, %gather3A_367] : memref<6x13xf32, #tpu.memory_space<vmem>>[vector<16xi32>, vector<16xi32>], vector<16xf32>,
      %broadcast_in_dim3A_449 = arith.constant 15 : i32
      %broadcast_in_dim3A_450 = vector.broadcast %broadcast_in_dim3A_449 : i32 to vector<16xi32>
      tpu.vector_store_idx %arg11[%add3A_361, %broadcast_in_dim3A_450], %gather3A_448 : memref<512x20xf32, #tpu.memory_space<vmem>>[vector<16xi32>, vector<16xi32>], vector<16xf32>,
      %broadcast_in_dim3A_451 = arith.constant 0 : i32
      %broadcast_in_dim3A_452 = vector.broadcast %broadcast_in_dim3A_451 : i32 to vector<16xi32>
      %gather3A_453 = tpu.vector_load_idx %arg10[%broadcast_in_dim3A_452, %gather3A_370] : memref<4x9xf32, #tpu.memory_space<vmem>>[vector<16xi32>, vector<16xi32>], vector<16xf32>,
      %broadcast_in_dim3A_454 = arith.constant 16 : i32
      %broadcast_in_dim3A_455 = vector.broadcast %broadcast_in_dim3A_454 : i32 to vector<16xi32>
      tpu.vector_store_idx %arg11[%add3A_361, %broadcast_in_dim3A_455], %gather3A_453 : memref<512x20xf32, #tpu.memory_space<vmem>>[vector<16xi32>, vector<16xi32>], vector<16xf32>,
      %broadcast_in_dim3A_456 = arith.constant 1 : i32
      %broadcast_in_dim3A_457 = vector.broadcast %broadcast_in_dim3A_456 : i32 to vector<16xi32>
      %gather3A_458 = tpu.vector_load_idx %arg10[%broadcast_in_dim3A_457, %gather3A_370] : memref<4x9xf32, #tpu.memory_space<vmem>>[vector<16xi32>, vector<16xi32>], vector<16xf32>,
      %broadcast_in_dim3A_459 = arith.constant 17 : i32
      %broadcast_in_dim3A_460 = vector.broadcast %broadcast_in_dim3A_459 : i32 to vector<16xi32>
      tpu.vector_store_idx %arg11[%add3A_361, %broadcast_in_dim3A_460], %gather3A_458 : memref<512x20xf32, #tpu.memory_space<vmem>>[vector<16xi32>, vector<16xi32>], vector<16xf32>,
      %broadcast_in_dim3A_461 = arith.constant 2 : i32
      %broadcast_in_dim3A_462 = vector.broadcast %broadcast_in_dim3A_461 : i32 to vector<16xi32>
      %gather3A_463 = tpu.vector_load_idx %arg10[%broadcast_in_dim3A_462, %gather3A_370] : memref<4x9xf32, #tpu.memory_space<vmem>>[vector<16xi32>, vector<16xi32>], vector<16xf32>,
      %broadcast_in_dim3A_464 = arith.constant 18 : i32
      %broadcast_in_dim3A_465 = vector.broadcast %broadcast_in_dim3A_464 : i32 to vector<16xi32>
      tpu.vector_store_idx %arg11[%add3A_361, %broadcast_in_dim3A_465], %gather3A_463 : memref<512x20xf32, #tpu.memory_space<vmem>>[vector<16xi32>, vector<16xi32>], vector<16xf32>,
      %broadcast_in_dim3A_466 = arith.constant 3 : i32
      %broadcast_in_dim3A_467 = vector.broadcast %broadcast_in_dim3A_466 : i32 to vector<16xi32>
      %gather3A_468 = tpu.vector_load_idx %arg10[%broadcast_in_dim3A_467, %gather3A_370] : memref<4x9xf32, #tpu.memory_space<vmem>>[vector<16xi32>, vector<16xi32>], vector<16xf32>,
      %broadcast_in_dim3A_469 = arith.constant 19 : i32
      %broadcast_in_dim3A_470 = vector.broadcast %broadcast_in_dim3A_469 : i32 to vector<16xi32>
      tpu.vector_store_idx %arg11[%add3A_361, %broadcast_in_dim3A_470], %gather3A_468 : memref<512x20xf32, #tpu.memory_space<vmem>>[vector<16xi32>, vector<16xi32>], vector<16xf32>,
    }
    %scan3A_13 = arith.constant 32 : i32
    "tpu.region"() ({
      %run_scoped3A = tpu.sem_alloc : memref<!tpu.dma_semaphore, #tpu.memory_space<semaphore_mem>>
      %dma_start3A_14 = arith.constant 0 : i32
      %dma_start3A_15 = tpu.memref_slice %arg6[%mul3A_2, %dma_start3A_14] : memref<16384x20xf32, #tpu.memory_space<hbm>> -> memref<512x20xf32, #tpu.memory_space<hbm>>
      %dma_start3A_16 = arith.constant 0 : i32
      %dma_start3A_17 = tpu.memref_slice %arg6[%mul3A_2, %dma_start3A_16] : memref<16384x20xf32, #tpu.memory_space<hbm>> -> memref<512x20xf32, #tpu.memory_space<hbm>>
      tpu.enqueue_dma source(%arg11 : memref<512x20xf32, #tpu.memory_space<vmem>>) target(%dma_start3A_17 : memref<512x20xf32, #tpu.memory_space<hbm>>) target_semaphore(%run_scoped3A : memref<!tpu.dma_semaphore, #tpu.memory_space<semaphore_mem>>)
      %dma_wait3A_18 = arith.constant 0 : i32
      %dma_wait3A_19 = tpu.memref_slice %arg6[%mul3A_2, %dma_wait3A_18] : memref<16384x20xf32, #tpu.memory_space<hbm>> -> memref<512x20xf32, #tpu.memory_space<hbm>>
      %dma_wait3A_20 = arith.constant 0 : i32
      %dma_wait3A_21 = tpu.memref_slice %arg6[%mul3A_2, %dma_wait3A_20] : memref<16384x20xf32, #tpu.memory_space<hbm>> -> memref<512x20xf32, #tpu.memory_space<hbm>>
      tpu.wait_dma2 semaphore(%run_scoped3A : memref<!tpu.dma_semaphore, #tpu.memory_space<semaphore_mem>>) src(%arg11 : memref<512x20xf32, #tpu.memory_space<vmem>>) dst(%dma_wait3A_21 : memref<512x20xf32, #tpu.memory_space<hbm>>)
      tpu.yield
    }) : () -> ()
    return
  }
}

module attributes {stable_mosaic.version = 14 : i64} {
  func.func @_mlp_body(%arg0: i32, %arg1: memref<39x4096xf32, #tpu.memory_space<vmem>>, %arg2: memref<4096x20xf32, #tpu.memory_space<vmem>>, %arg3: memref<20x200xf32, #tpu.memory_space<vmem>>, %arg4: memref<39x200xf32, #tpu.memory_space<vmem>>, %arg5: memref<200xf32, #tpu.memory_space<vmem>>, %arg6: memref<200x100xf32, #tpu.memory_space<vmem>>, %arg7: memref<100xf32, #tpu.memory_space<vmem>>, %arg8: memref<50x100xf32, #tpu.memory_space<vmem>>, %arg9: memref<50xf32, #tpu.memory_space<vmem>>, %arg10: memref<20x50xf32, #tpu.memory_space<vmem>>, %arg11: memref<20xf32, #tpu.memory_space<vmem>>, %arg12: memref<2x20xf32, #tpu.memory_space<vmem>>, %arg13: memref<2xf32, #tpu.memory_space<vmem>>, %arg14: memref<2x4096xf32, #tpu.memory_space<vmem>>) attributes {dimension_semantics = [#tpu.dimension_semantics<arbitrary>], iteration_bounds = array<i64: 4>, scalar_prefetch = 0 : i64, scratch_operands = 0 : i64, tpu.core_type = #tpu.core_type<tc>, window_params = [{transform_indices = @transform_0, window_bounds = array<i64: 39, 4096>}, {transform_indices = @transform_1, window_bounds = array<i64: 4096, 20>}, {pipeline_mode = #tpu.pipeline_mode<synchronous>, transform_indices = @transform_2, window_bounds = array<i64: 20, 200>}, {pipeline_mode = #tpu.pipeline_mode<synchronous>, transform_indices = @transform_3, window_bounds = array<i64: 39, 200>}, {pipeline_mode = #tpu.pipeline_mode<synchronous>, transform_indices = @transform_4, window_bounds = array<i64: 200>}, {pipeline_mode = #tpu.pipeline_mode<synchronous>, transform_indices = @transform_5, window_bounds = array<i64: 200, 100>}, {pipeline_mode = #tpu.pipeline_mode<synchronous>, transform_indices = @transform_6, window_bounds = array<i64: 100>}, {pipeline_mode = #tpu.pipeline_mode<synchronous>, transform_indices = @transform_7, window_bounds = array<i64: 50, 100>}, {pipeline_mode = #tpu.pipeline_mode<synchronous>, transform_indices = @transform_8, window_bounds = array<i64: 50>}, {pipeline_mode = #tpu.pipeline_mode<synchronous>, transform_indices = @transform_9, window_bounds = array<i64: 20, 50>}, {pipeline_mode = #tpu.pipeline_mode<synchronous>, transform_indices = @transform_10, window_bounds = array<i64: 20>}, {pipeline_mode = #tpu.pipeline_mode<synchronous>, transform_indices = @transform_11, window_bounds = array<i64: 2, 20>}, {pipeline_mode = #tpu.pipeline_mode<synchronous>, transform_indices = @transform_12, window_bounds = array<i64: 2>}, {transform_indices = @transform_13, window_bounds = array<i64: 2, 4096>}]} {
    %get3A = arith.constant 0 : index
    %get3A_0 = arith.constant 0 : index
    %get3A_1 = vector.load %arg2[%get3A, %get3A_0] : memref<4096x20xf32, #tpu.memory_space<vmem>>, vector<4096x20xf32>
    %get3A_2 = arith.constant 0 : index
    %get3A_3 = arith.constant 0 : index
    %get3A_4 = vector.load %arg3[%get3A_2, %get3A_3] : memref<20x200xf32, #tpu.memory_space<vmem>>, vector<20x200xf32>
    %dot_general3A = arith.constant dense<0.000000e+00> : vector<4096x200xf32>
    %dot_general3A_5 = tpu.matmul %get3A_1, %get3A_4, %dot_general3A {dimension_numbers = #tpu.dot_dimension_numbers<[1], [0], [0], [1], [0, 0, 1, 1], [], []>, transpose_lhs_hint = false} : vector<4096x20xf32>, vector<20x200xf32>, vector<4096x200xf32> -> vector<4096x200xf32>
    %get3A_6 = arith.constant 0 : index
    %get3A_7 = arith.constant 0 : index
    %get3A_8 = vector.load %arg1[%get3A_6, %get3A_7] : memref<39x4096xf32, #tpu.memory_space<vmem>>, vector<39x4096xf32>
    %get3A_9 = arith.constant 0 : index
    %get3A_10 = arith.constant 0 : index
    %get3A_11 = vector.load %arg4[%get3A_9, %get3A_10] : memref<39x200xf32, #tpu.memory_space<vmem>>, vector<39x200xf32>
    %dot_general3A_12 = arith.constant dense<0.000000e+00> : vector<4096x200xf32>
    %dot_general3A_13 = tpu.matmul %get3A_8, %get3A_11, %dot_general3A_12 {dimension_numbers = #tpu.dot_dimension_numbers<[0], [0], [1], [1], [0, 1, 1, 1], [], []>, transpose_lhs_hint = false} : vector<39x4096xf32>, vector<39x200xf32>, vector<4096x200xf32> -> vector<4096x200xf32>
    %add3A = arith.addf %dot_general3A_5, %dot_general3A_13 : vector<4096x200xf32>
    %get3A_14 = arith.constant 0 : index
    %get3A_15 = vector.load %arg5[%get3A_14] : memref<200xf32, #tpu.memory_space<vmem>>, vector<200xf32>
    %broadcast_in_dim3A = vector.shape_cast %get3A_15 : vector<200xf32> to vector<1x200xf32>
    %add3A_16 = vector.broadcast %broadcast_in_dim3A : vector<1x200xf32> to vector<4096x200xf32>
    %add3A_17 = arith.addf %add3A, %add3A_16 : vector<4096x200xf32>
    %max3A = arith.constant 0.000000e+00 : f32
    %max3A_18 = vector.broadcast %max3A : f32 to vector<4096x200xf32>
    %max3A_19 = arith.maximumf %add3A_17, %max3A_18 : vector<4096x200xf32>
    %get3A_20 = arith.constant 0 : index
    %get3A_21 = arith.constant 0 : index
    %get3A_22 = vector.load %arg6[%get3A_20, %get3A_21] : memref<200x100xf32, #tpu.memory_space<vmem>>, vector<200x100xf32>
    %dot_general3A_23 = arith.constant dense<0.000000e+00> : vector<4096x100xf32>
    %dot_general3A_24 = tpu.matmul %max3A_19, %get3A_22, %dot_general3A_23 {dimension_numbers = #tpu.dot_dimension_numbers<[1], [0], [0], [1], [0, 0, 1, 1], [], []>, transpose_lhs_hint = false} : vector<4096x200xf32>, vector<200x100xf32>, vector<4096x100xf32> -> vector<4096x100xf32>
    %get3A_25 = arith.constant 0 : index
    %get3A_26 = vector.load %arg7[%get3A_25] : memref<100xf32, #tpu.memory_space<vmem>>, vector<100xf32>
    %broadcast_in_dim3A_27 = vector.shape_cast %get3A_26 : vector<100xf32> to vector<1x100xf32>
    %add3A_28 = vector.broadcast %broadcast_in_dim3A_27 : vector<1x100xf32> to vector<4096x100xf32>
    %add3A_29 = arith.addf %dot_general3A_24, %add3A_28 : vector<4096x100xf32>
    %max3A_30 = arith.constant 0.000000e+00 : f32
    %max3A_31 = vector.broadcast %max3A_30 : f32 to vector<4096x100xf32>
    %max3A_32 = arith.maximumf %add3A_29, %max3A_31 : vector<4096x100xf32>
    %get3A_33 = arith.constant 0 : index
    %get3A_34 = arith.constant 0 : index
    %get3A_35 = vector.load %arg8[%get3A_33, %get3A_34] : memref<50x100xf32, #tpu.memory_space<vmem>>, vector<50x100xf32>
    %dot_general3A_36 = arith.constant dense<0.000000e+00> : vector<4096x50xf32>
    %dot_general3A_37 = tpu.matmul %max3A_32, %get3A_35, %dot_general3A_36 {dimension_numbers = #tpu.dot_dimension_numbers<[1], [1], [0], [0], [0, 0, 1, 0], [], []>, transpose_lhs_hint = false} : vector<4096x100xf32>, vector<50x100xf32>, vector<4096x50xf32> -> vector<4096x50xf32>
    %get3A_38 = arith.constant 0 : index
    %get3A_39 = vector.load %arg9[%get3A_38] : memref<50xf32, #tpu.memory_space<vmem>>, vector<50xf32>
    %broadcast_in_dim3A_40 = vector.shape_cast %get3A_39 : vector<50xf32> to vector<1x50xf32>
    %add3A_41 = vector.broadcast %broadcast_in_dim3A_40 : vector<1x50xf32> to vector<4096x50xf32>
    %add3A_42 = arith.addf %dot_general3A_37, %add3A_41 : vector<4096x50xf32>
    %max3A_43 = arith.constant 0.000000e+00 : f32
    %max3A_44 = vector.broadcast %max3A_43 : f32 to vector<4096x50xf32>
    %max3A_45 = arith.maximumf %add3A_42, %max3A_44 : vector<4096x50xf32>
    %get3A_46 = arith.constant 0 : index
    %get3A_47 = arith.constant 0 : index
    %get3A_48 = vector.load %arg10[%get3A_46, %get3A_47] : memref<20x50xf32, #tpu.memory_space<vmem>>, vector<20x50xf32>
    %dot_general3A_49 = arith.constant dense<0.000000e+00> : vector<4096x20xf32>
    %dot_general3A_50 = tpu.matmul %max3A_45, %get3A_48, %dot_general3A_49 {dimension_numbers = #tpu.dot_dimension_numbers<[1], [1], [0], [0], [0, 0, 1, 0], [], []>, transpose_lhs_hint = false} : vector<4096x50xf32>, vector<20x50xf32>, vector<4096x20xf32> -> vector<4096x20xf32>
    %get3A_51 = arith.constant 0 : index
    %get3A_52 = vector.load %arg11[%get3A_51] : memref<20xf32, #tpu.memory_space<vmem>>, vector<20xf32>
    %broadcast_in_dim3A_53 = vector.shape_cast %get3A_52 : vector<20xf32> to vector<1x20xf32>
    %add3A_54 = vector.broadcast %broadcast_in_dim3A_53 : vector<1x20xf32> to vector<4096x20xf32>
    %add3A_55 = arith.addf %dot_general3A_50, %add3A_54 : vector<4096x20xf32>
    %max3A_56 = arith.constant 0.000000e+00 : f32
    %max3A_57 = vector.broadcast %max3A_56 : f32 to vector<4096x20xf32>
    %max3A_58 = arith.maximumf %add3A_55, %max3A_57 : vector<4096x20xf32>
    %get3A_59 = arith.constant 0 : index
    %get3A_60 = arith.constant 0 : index
    %get3A_61 = vector.load %arg12[%get3A_59, %get3A_60] : memref<2x20xf32, #tpu.memory_space<vmem>>, vector<2x20xf32>
    %dot_general3A_62 = arith.constant dense<0.000000e+00> : vector<2x4096xf32>
    %dot_general3A_63 = tpu.matmul %get3A_61, %max3A_58, %dot_general3A_62 {dimension_numbers = #tpu.dot_dimension_numbers<[1], [1], [0], [0], [0, 0, 1, 0], [], []>, transpose_lhs_hint = false} : vector<2x20xf32>, vector<4096x20xf32>, vector<2x4096xf32> -> vector<2x4096xf32>
    %get3A_64 = arith.constant 0 : index
    %get3A_65 = vector.load %arg13[%get3A_64] : memref<2xf32, #tpu.memory_space<vmem>>, vector<2xf32>
    %broadcast_in_dim3A_66 = vector.shape_cast %get3A_65 : vector<2xf32> to vector<2x1xf32>
    %add3A_67 = vector.broadcast %broadcast_in_dim3A_66 : vector<2x1xf32> to vector<2x4096xf32>
    %add3A_68 = arith.addf %dot_general3A_63, %add3A_67 : vector<2x4096xf32>
    %reduce_max3A = arith.constant dense<0xFF800000> : vector<4096xf32>
    %reduce_max3A_69 = vector.multi_reduction <maximumf>, %add3A_68, %reduce_max3A [0] : vector<2x4096xf32> to vector<4096xf32>
    %max3A_70 = arith.constant 0xFF800000 : f32
    %max3A_71 = vector.broadcast %max3A_70 : f32 to vector<4096xf32>
    %max3A_72 = arith.maximumf %max3A_71, %reduce_max3A_69 : vector<4096xf32>
    %broadcast_in_dim3A_73 = vector.shape_cast %max3A_72 : vector<4096xf32> to vector<1x4096xf32>
    %sub3A = vector.broadcast %broadcast_in_dim3A_73 : vector<1x4096xf32> to vector<2x4096xf32>
    %sub3A_74 = arith.subf %add3A_68, %sub3A : vector<2x4096xf32>
    %exp3A = math.exp %sub3A_74 : vector<2x4096xf32>
    %reduce_sum3A = arith.constant dense<0.000000e+00> : vector<4096xf32>
    %reduce_sum3A_75 = vector.multi_reduction <add>, %exp3A, %reduce_sum3A [0] : vector<2x4096xf32> to vector<4096xf32>
    %broadcast_in_dim3A_76 = vector.shape_cast %reduce_sum3A_75 : vector<4096xf32> to vector<1x4096xf32>
    %log3A = math.log %broadcast_in_dim3A_76 : vector<1x4096xf32>
    %sub3A_77 = vector.broadcast %log3A : vector<1x4096xf32> to vector<2x4096xf32>
    %sub3A_78 = arith.subf %sub3A_74, %sub3A_77 : vector<2x4096xf32>
    %swap3A = arith.constant 0 : index
    %swap3A_79 = arith.constant 0 : index
    %swap3A_80 = vector.load %arg14[%swap3A, %swap3A_79] : memref<2x4096xf32, #tpu.memory_space<vmem>>, vector<2x4096xf32>
    tpu.vector_store %arg14[%swap3A, %swap3A_79], %sub3A_78 {strides = array<i32>} : memref<2x4096xf32, #tpu.memory_space<vmem>>, vector<2x4096xf32>,
    return
  }
  func.func @transform_0(%arg0: i32) -> (i32, i32) {
    %c0_i32 = arith.constant 0 : i32
    %c0_i32_0 = arith.constant 0 : i32
    return %c0_i32, %arg0 : i32, i32
  }
  func.func @transform_1(%arg0: i32) -> (i32, i32) {
    %c0_i32 = arith.constant 0 : i32
    %c0_i32_0 = arith.constant 0 : i32
    return %arg0, %c0_i32 : i32, i32
  }
  func.func @transform_2(%arg0: i32) -> (i32, i32) {
    %c0_i32 = arith.constant 0 : i32
    %c0_i32_0 = arith.constant 0 : i32
    %c0_i32_1 = arith.constant 0 : i32
    return %c0_i32, %c0_i32_0 : i32, i32
  }
  func.func @transform_3(%arg0: i32) -> (i32, i32) {
    %c0_i32 = arith.constant 0 : i32
    %c0_i32_0 = arith.constant 0 : i32
    %c0_i32_1 = arith.constant 0 : i32
    return %c0_i32, %c0_i32_0 : i32, i32
  }
  func.func @transform_4(%arg0: i32) -> i32 {
    %c0_i32 = arith.constant 0 : i32
    %c0_i32_0 = arith.constant 0 : i32
    return %c0_i32 : i32
  }
  func.func @transform_5(%arg0: i32) -> (i32, i32) {
    %c0_i32 = arith.constant 0 : i32
    %c0_i32_0 = arith.constant 0 : i32
    %c0_i32_1 = arith.constant 0 : i32
    return %c0_i32, %c0_i32_0 : i32, i32
  }
  func.func @transform_6(%arg0: i32) -> i32 {
    %c0_i32 = arith.constant 0 : i32
    %c0_i32_0 = arith.constant 0 : i32
    return %c0_i32 : i32
  }
  func.func @transform_7(%arg0: i32) -> (i32, i32) {
    %c0_i32 = arith.constant 0 : i32
    %c0_i32_0 = arith.constant 0 : i32
    %c0_i32_1 = arith.constant 0 : i32
    return %c0_i32, %c0_i32_0 : i32, i32
  }
  func.func @transform_8(%arg0: i32) -> i32 {
    %c0_i32 = arith.constant 0 : i32
    %c0_i32_0 = arith.constant 0 : i32
    return %c0_i32 : i32
  }
  func.func @transform_9(%arg0: i32) -> (i32, i32) {
    %c0_i32 = arith.constant 0 : i32
    %c0_i32_0 = arith.constant 0 : i32
    %c0_i32_1 = arith.constant 0 : i32
    return %c0_i32, %c0_i32_0 : i32, i32
  }
  func.func @transform_10(%arg0: i32) -> i32 {
    %c0_i32 = arith.constant 0 : i32
    %c0_i32_0 = arith.constant 0 : i32
    return %c0_i32 : i32
  }
  func.func @transform_11(%arg0: i32) -> (i32, i32) {
    %c0_i32 = arith.constant 0 : i32
    %c0_i32_0 = arith.constant 0 : i32
    %c0_i32_1 = arith.constant 0 : i32
    return %c0_i32, %c0_i32_0 : i32, i32
  }
  func.func @transform_12(%arg0: i32) -> i32 {
    %c0_i32 = arith.constant 0 : i32
    %c0_i32_0 = arith.constant 0 : i32
    return %c0_i32 : i32
  }
  func.func @transform_13(%arg0: i32) -> (i32, i32) {
    %c0_i32 = arith.constant 0 : i32
    %c0_i32_0 = arith.constant 0 : i32
    return %c0_i32, %arg0 : i32, i32
  }
}

</mosaic_0001>

<sc_bundles>
// kernel: kernel.4.cloned.1.call-start
scs
__scs_entry_jumppad:
0x0: {  	(pc) =	sbr.rel $0x88, $3  }
0x1: {  	(tag) =	ssettag $0x0;
	lr =	simm.s32 $0x1  }
0x2: {  	[smem:$0x3F92] =	sst lr;
	_ =	strace $0xD0000000  }
0x3: {  	_ = 	snop  }
0x4: {  	_ = 	snop  }
0x5: {  	_ = 	snop  }
0x6: {  	_ = 	snop  }
0x7: {  	_ = 	snop  }
__scs_overlays_trampoline_lowered:
0x8: {  	[smem:$0x3FA1] =	sst s0  }
0x9: {  	[smem:$0x3FA2] =	sst s1  }
0xa: {  	[smem:$0x3FA3] =	sst s2  }
0xb: {  	[smem:$0x3FA4] =	sst s3  }
0xc: {  	[smem:$0x3FA5] =	sst s4  }
0xd: {  	[smem:$0x3FA6] =	sst s5  }
0xe: {  	[smem:$0x3FA7] =	sst s6  }
0xf: {  	[smem:$0x3FA8] =	sst s7  }
0x10: {  	[smem:$0x3FA9] =	sst s8  }
0x11: {  	[smem:$0x3FAA] =	sst s9;
	s0 =	simm.s32 @!p0 $0x0  }
0x12: {  	s1 =	sld [smem:$0x3F90];
	s0 =	simm.s32 @p0 $0x1  }
0x13: {  	[smem:$0x3FAB] =	sst s0;
	s0 =	simm.s32 @!p1 $0x0  }
0x14: {  	s2 =	sld [smem:$0x3F8F];
	s0 =	simm.s32 @p1 $0x1  }
0x15: {  	[smem:$0x3FAC] =	sst s0;
	s0 =	simm.s32 @!p2 $0x0  }
0x16: {  	s3 =	sld [smem:$0x3FDB];
	s0 =	simm.s32 @p2 $0x1  }
0x17: {  	s4 =	simm.s32 $0x1BF5;
	[smem:$0x3FAE] =	sst s0  }
0x18: {  	s0 =	sld [smem:$0x3F91];
	_ =	swait.ge [sflag:s4], $0x0  }
0x19: {  	s7 =	sld [smem:$0x3F92]  }
0x1a: {  	s8 =	sadd.s32 $0xFFFFE003, lr  }
0x1b: {  	s9 =	sadd.s32 $0xFFFFFEF7, lr;
	s5 =	simm.s32 $0xFFFFFFFF;
	p2 =	slt.u32 s8, $0xFFFFF086  }
0x1c: {  	p1 =	slt.u32 s9, $0xF7A;
	s5 =	simm.s32 @!p2 $0x0  }
0x1d: {  	s5 =	simm.s32 @p1 $0x1;
	p0 =	seq.s32 s7, s2  }
0x1e: {  	s7 =	smul.u32 @!p0 $0xF7A, s2;
	p2 =	seq.s32 @!p0 s5, $0x0  }
0x1f: {  	s9 =	smul.u32 $0xF7A, s1;
	s8 =	simm.s32 @!p0 $0x1BF5;
	p2 =	por !p2, p0  }
0x20: {  	[sflag:s8] =	ssyncset.s32 @!p0 $0xFFFFF086;
	s6 =	sadd.s32 @!p0 s3, s7;
	s7 =	simm.s32 @!p0 $0x108  }
0x21: {  	s3 =	sadd.s32 s3, s9;
	s6 =	sadd.s32 @!p0 $0x88, s6;
	s7 =	simm.s32 @p2 $0x1082  }
0x22: {  	[simem:s7], [sflag:s8] =	dma.local @!p0 [hbm:s6], $0xF7A  }
0x23: {  	s9 =	sor.u32 $0xD0000000, s2;
	s6 =	simm.s32 $0x108;
	_ =	swait.ge @!p0 [sflag:s8], $0x0  }
0x24: {  	s3 =	sadd.s32 $0x88, s3;
	s6 =	simm.s32 @!p1 $0x1082;
	[sflag:s4] =	ssyncset.s32 $0xFFFFF086  }
0x25: {  	[simem:s6], [sflag:s4] =	dma.local [hbm:s3], $0xF7A  }
0x26: {  	[smem:$0x3F92] =	sst s1;
	(tag) =	ssettag s2;
	_ =	strace s9  }
0x27: {  	s1 =	sld [smem:$0x3FA2]  }
0x28: {  	s2 =	sld [smem:$0x3FA3]  }
0x29: {  	s4 =	sld [smem:$0x3FA5]  }
0x2a: {  	p0 =	seq.s32 s5, $0x0;
	s5 =	sld [smem:$0x3FA6]  }
0x2b: {  	s6 =	sld [smem:$0x3FA7]  }
0x2c: {  	s7 =	sld [smem:$0x3FA8]  }
0x2d: {  	s3 =	simm.s32 $0x108;
	s8 =	sld [smem:$0x3FA9]  }
0x2e: {  	s3 =	simm.s32 @!p0 $0x1082;
	s9 =	sld [smem:$0x3FAA]  }
0x2f: {  	lr =	sadd.s32 s0, s3;
	s0 =	sld [smem:$0x3FA1]  }
0x30: {  	s3 =	sld [smem:$0x3FA4]  }
0x31: {  	[smem:$0x3FAD] =	sst s10  }
0x32: {  	s10 =	sld [smem:$0x3FAB];
	_ =	sdelay $0x3  }
0x33: {  	p0 =	seq.s32 s10, $0x1;
	s10 =	sld [smem:$0x3FAD];
	_ =	sdelay $0x3  }
0x34: {  	[smem:$0x3FAD] =	sst s10  }
0x35: {  	s10 =	sld [smem:$0x3FAC];
	_ =	sdelay $0x3  }
0x36: {  	p1 =	seq.s32 s10, $0x1;
	s10 =	sld [smem:$0x3FAD];
	_ =	sdelay $0x3  }
0x37: {  	[smem:$0x3FAD] =	sst s10  }
0x38: {  	s10 =	sld [smem:$0x3FAE]  }
0x39: {  	_ = 	snop;
	(pc) =	sbr.ind lr, $3  }
0x3a: {  	_ = 	snop  }
0x3b: {  	_ = 	snop  }
0x3c: {  	p2 =	seq.s32 s10, $0x1;
	s10 =	sld [smem:$0x3FAD]  }
0x3d: {  	_ =	shalt  }
0x3e: {  	_ =	shalt  }
0x3f: {  	_ =	shalt  }
0x40: {  	_ =	shalt  }
0x41: {  	_ =	shalt  }
0x42: {  	_ =	shalt  }
0x43: {  	_ =	shalt  }
0x44: {  	_ =	shalt  }
0x45: {  	_ =	shalt  }
0x46: {  	_ =	shalt  }
0x47: {  	_ =	shalt  }
0x48: {  	_ =	shalt  }
0x49: {  	_ =	shalt  }
0x4a: {  	_ =	shalt  }
0x4b: {  	_ =	shalt  }
0x4c: {  	_ =	shalt  }
0x4d: {  	_ =	shalt  }
0x4e: {  	_ =	shalt  }
0x4f: {  	_ =	shalt  }
0x50: {  	_ =	shalt  }
0x51: {  	_ =	shalt  }
0x52: {  	_ =	shalt  }
0x53: {  	_ =	shalt  }
0x54: {  	_ =	shalt  }
0x55: {  	_ =	shalt  }
0x56: {  	_ =	shalt  }
0x57: {  	_ =	shalt  }
0x58: {  	_ =	shalt  }
0x59: {  	_ =	shalt  }
0x5a: {  	_ =	shalt  }
0x5b: {  	_ =	shalt  }
0x5c: {  	_ =	shalt  }
0x5d: {  	_ =	shalt  }
0x5e: {  	_ =	shalt  }
0x5f: {  	_ =	shalt  }
0x60: {  	_ =	shalt  }
0x61: {  	_ =	shalt  }
0x62: {  	_ =	shalt  }
0x63: {  	_ =	shalt  }
0x64: {  	_ =	shalt  }
0x65: {  	_ =	shalt  }
0x66: {  	_ =	shalt  }
0x67: {  	_ =	shalt  }
0x68: {  	_ =	shalt  }
0x69: {  	_ =	shalt  }
0x6a: {  	_ =	shalt  }
0x6b: {  	_ =	shalt  }
0x6c: {  	_ =	shalt  }
0x6d: {  	_ =	shalt  }
0x6e: {  	_ =	shalt  }
0x6f: {  	_ =	shalt  }
0x70: {  	_ =	shalt  }
0x71: {  	_ =	shalt  }
0x72: {  	_ =	shalt  }
0x73: {  	_ =	shalt  }
0x74: {  	_ =	shalt  }
0x75: {  	_ =	shalt  }
0x76: {  	_ =	shalt  }
0x77: {  	_ =	shalt  }
0x78: {  	_ =	shalt  }
0x79: {  	_ =	shalt  }
0x7a: {  	_ =	shalt  }
0x7b: {  	_ =	shalt  }
0x7c: {  	_ =	shalt  }
0x7d: {  	_ =	shalt  }
0x7e: {  	_ =	shalt  }
0x7f: {  	_ =	shalt  }
0x80: {  	_ =	shalt  }
0x81: {  	_ =	shalt  }
0x82: {  	_ =	shalt  }
0x83: {  	_ =	shalt  }
0x84: {  	_ =	shalt  }
0x85: {  	_ =	shalt  }
0x86: {  	_ =	shalt  }
0x87: {  	_ =	shalt  }
.Lfunc_end0:
.L_simem_size_0:
called_computation_lowered:
.L_overlay_start_0:
0x88: {  	s2 =	sld [smem:$0x3FD9]  }
0x89: {  	s3 =	sld [smem:$0x3FFE];
	_ =	sdelay $0x1  }
0x8a: {  	s1 =	srdreg.scid  }
0x8b: {  	s0 =	sand.u32 $0x1, s1  }
0x8c: {  	s17 =	sshll.u32 s0, $0xA;
	s2 =	sadd.s32 s3, s2  }
0x8d: {  	s2 =	sadd.s32 s2, s17  }
0x8e: {  	[smem:$0x3FB9] =	sst s2  }
0x8f: {  	_ = 	snop  }
0x90: {  	s2 =	sld [smem:$0x3FD0];
	(tm) =	ssettm $0x1  }
0x91: {  	s18 =	sld [smem:$0x3FFB];
	_ =	sdelay $0x3  }
0x92: {  	_ =	strace s18  }
0x93: {  	s3 =	sld [smem:$0x3FFC];
	_ =	sdelay $0x3  }
0x94: {  	_ =	strace s3  }
0x95: {  	s3 =	sld [smem:$0x3FFD];
	_ =	sdelay $0x3  }
0x96: {  	_ =	strace s3  }
0x97: {  	_ =	strace $0x8FFFFFFF  }
0x98: {  	s19 =	sld [smem:$0x3FDB];
	_ =	sdelay $0x1  }
0x99: {  	s4 =	simm.s32 $_scs_section_size  }
0x9a: {  	s5 =	simm.s32 $_size__tile_overlayer_lowered;
	s6 =	simm.s32 $_tile_overlayer_lowered  }
0x9b: {  	s22 =	simm.s32 $0x1BFF;
	s21 =	sshll.u32 s6, $0x1;
	s3 =	sadd.s32 s4, s19  }
0x9c: {  	s7 =	simm.s32 $0x0;
	s20 =	sshll.u32 s5, $0x1;
	s5 =	sadd.s32 s21, s3  }
0x9d: {  	[timem:s7], [sflag:s22] =	dma.local [hbm:s5], s20  }
0x9e: {  	_ =	swait.ge [sflag:s22], s20  }
0x9f: {  	s4 =	ssub.s32 $0x0, s20;
	[sflag:s22] =	ssyncset.done $0x0  }
0xa0: {  	[sflag:s22] =	ssyncadd.s32 s4;
	_ =	sdelay $0x1  }
0xa1: {  	s23 =	simm.s32 $0x1B8B  }
0xa2: {  	_ =	swait.ge [sflag:s23], $0x1  }
0xa3: {  	[sflag:s23] =	ssyncset.done $0x0  }
0xa4: {  	s25 =	simm.s32 $0x1B8E;
	s24 =	sld [smem:$0x3FFE];
	[sflag:s23] =	ssyncadd.s32 $0xFFFFFFFF  }
0xa5: {  	s26 =	simm.s32 $execute0_lowered;
	[smem:$0x3FD2] =	sst s25  }
0xa6: {  	s5 =	sshll.u32 s26, $0x1;
	_ =	strace $0x80000046;
	[dreg:$0x1] =	wrdreg $0xFFFFFFFF  }
0xa7: {  	s28 =	simm.s32 $_size_execute0_lowered;
	s3 =	sadd.s32 s3, s5;
	[dreg:$0x0] =	wrdreg $0x0  }
0xa8: {  	s5 =	sshll.u32 s28, $0x1;
	[dreg:$0x2] =	wrdreg s3  }
0xa9: {  	[dreg:$0x3] =	wrdreg s5  }
0xaa: {  	[dreg:$0x4] =	wrdreg $0xC0  }
0xab: {  	_ =	task [dreg:s7], $0x5FFFF  }
0xac: {  	[dreg:$0x1] =	wrdreg $0xFFFFFFFF  }
0xad: {  	[dreg:$0x0] =	wrdreg $0x60  }
0xae: {  	[dreg:$0x2] =	wrdreg s24  }
0xaf: {  	[dreg:$0x3] =	wrdreg s2  }
0xb0: {  	[dreg:$0x4] =	wrdreg $0x9  }
0xb1: {  	_ =	task.clear_ibuf [dreg:s7], $0x5FFFF;
	_ =	strace $0x90000046  }
0xb2: {  	s29 =	simm.s32 $0x9;
	_ =	strace $0x80000048  }
0xb3: {  	_ =	swait.ge [sflag:s29], $0x1  }
0xb4: {  	[sflag:s29] =	ssyncadd.s32 $0xFFFFFFFF  }
0xb5: {  	_ =	strace $0x90000048  }
0xb6: {  	_ =	sfence  }
0xb7: {  	s30 =	sld [smem:$0x0];
	_ =	sdelay $0x2  }
0xb8: {  	s31 =	sshll.u32 s1, $0xD;
	s1 =	sshrl.u32 s1, $0x2  }
0xb9: {  	s3 =	sand.u32 $0x4000, s31;
	s1 =	sadd.s32 s1, s30  }
0xba: {  	s0 =	sor.u32 s3, s0;
	s1 =	sshll.u32 s1, $0x11  }
0xbb: {  	s0 =	sor.u32 s1, s0  }
0xbc: {  	s0 =	sadd.s32 $0x8F2B, s0  }
0xbd: {  	[sflag:s0] =	ssyncadd.remote.s32 $0x1  }
0xbe: {  	_ =	sfence.sel $0xFFFF  }
0xbf: {  	[dreg:$0x0] =	wrdreg $0xFFFFFFFF;
	(pc) =	sbr.abs _section_cstart, $3  }
0xc0: {  	[dreg:$0x1] =	wrdreg $0xFFFFFFFF  }
0xc1: {  	_ =	task.clear_ibuf [dreg:s7], $0x2FFFF;
	_ =	strace $0x9FFFFFFF  }
0xc2: {  	(tm) =	ssettm $0x7FFFFFFF  }
0xc3: {  	_ =	shalt  }
tec
execute0_lowered:
.L_overlay_start_1:
0x0: {  	(tag) =	ssettag $0x1  }
0x1: {  	s6 =	rddreg [dreg:$0x0]  }
0x2: {  	s2 =	rddreg [dreg:$0x1]  }
0x3: {  	s0 =	rddreg [dreg:$0x2]  }
0x4: {  	s4 =	srdreg.scid;
	s3 =	simm.s32 $0x0;
	s1 =	stileid.u32  }
0x5: {  	s11 =	simm.s32 $0x600;
	s12 =	simm.s32 $0xB50;
	s13 =	simm.s32 $0xBB0  }
0x6: {  	s14 =	simm.s32 $0x1;
	s15 =	simm.s32 $0xBF0;
	s16 =	simm.s32 $0x2  }
0x7: {  	s17 =	simm.s32 $0x0;
	s4 =	sand.u32 $0x1, s4;
	[smem:$0x7FF] =	sst s3  }
0x8: {  	s5 =	sshll.u32 s1, $0xA;
	s7 =	sshll.u32 s4, $0x9;
	_ =	strace $0x80000047  }
0x9: {  	s9 =	ssub.s32 $0x2, s4;
	s4 =	sadd.s32 $0x3200, s6;
	s5 =	sor.u32 s7, s5  }
0xa: {  	v0 =	vlaneseq.u32;
	s10 =	sshrl.u32 s9, $0x1;
	s7 =	sshrl.u32 s5, $0x3;
	s8 =	smul.u32 $0x3, s5  }
0xb: {  	v3 =	vand.u32 $0x7, v0;
	s5 =	sadd.s32 $0x3400, s6;
	s9 =	ssub.s32 s9, s10;
	s7 =	sadd.s32 s7, s6  }
0xc: {  	v4 =	vor.u32 $0xFFFFFFD8, v0;
	v5 =	vor.u32 $0xFFFFFFE8, v0;
	v6 =	vor.u32 $0xFFFFFFF8, v0;
	s10 =	simm.s32 $0x4000;
	s8 =	sadd.s32 s8, s6;
	s6 =	sadd.s32 $0x1A00, s7  }
0xd: {  	v1 =	vor.u32 $0xFFFFFFC8, v3;
	v2 =	vor.u32 $0x200, v3;
	v3 =	vor.u32 $0x400, v3;
	s7 =	sadd.s32 $0x3600, s8;
	s8 =	smax.u32 s9, $0x1;
	s9 =	simm.s32 $0x200  }
.LBB2_1:
0xe: {  	[tilespmem:s3], [sflag:$0x1] =	stream.strided.gather [hbm4b:s6+s9], $0x600, s10, s9, $0x38;
	[tilespmem:$0x3BF0] =	vst v63  }
0xf: {  	_ = 	snop  }
0x10: {  	[tilespmem:s11], [sflag:$0x1] =	stream.linear.gather [hbm4b:s2+s3], $0x550, $0x38;
	[tilespmem:$0x3BF0] =	vst v63  }
0x11: {  	_ = 	snop  }
0x12: {  	[tilespmem:s12], [sflag:$0x1] =	stream.linear.gather [hbm4b:s4+s3], $0x60, $0x38;
	[tilespmem:$0x3BF0] =	vst v63  }
0x13: {  	_ = 	snop  }
0x14: {  	[tilespmem:s13], [sflag:$0x1] =	stream.linear.gather [hbm4b:s5+s3], $0x40, $0x38;
	[tilespmem:$0x3BF0] =	vst v63  }
0x15: {  	_ =	swait.ge [sflag:s14], $0x600  }
0x16: {  	[sflag:s14] =	ssyncset.done $0x0  }
0x17: {  	[sflag:s14] =	ssyncadd.s32 $0xFFFFFA00  }
0x18: {  	_ =	swait.ge [sflag:s14], $0x550  }
0x19: {  	[sflag:s14] =	ssyncset.done $0x0  }
0x1a: {  	[sflag:s14] =	ssyncadd.s32 $0xFFFFFAB0  }
0x1b: {  	_ =	swait.ge [sflag:s14], $0x60  }
0x1c: {  	[sflag:s14] =	ssyncset.done $0x0  }
0x1d: {  	[sflag:s14] =	ssyncadd.s32 $0xFFFFFFA0  }
0x1e: {  	_ =	swait.ge [sflag:s14], $0x40  }
0x1f: {  	[sflag:s14] =	ssyncset.done $0x0  }
0x20: {  	s18 =	simm.s32 $0xFFFFFFFC;
	s19 =	simm.s32 $0x30;
	[sflag:s14] =	ssyncadd.s32 $0xFFFFFFC0  }
.LBB2_2:
0x21: {  	s20 =	sadd.s32 $0xFFFFFFD0, s19  }
0x22: {  	v7 =	vor.u32 s20, v0  }
0x23: {  	v8 =	vand.u32 v1, v7;
	_ =	sdelay $0x4  }
0x24: {  	v8 =	vld.idx.msk [tilespmem:v8+s3+$0x0], $0xffff;
	_ =	sdelay $0x5  }
0x25: {  	v9 =	vand.u32 $0x1C8, v7  }
0x26: {  	v7 =	vmul.u32 $0x18, v7;
	v10 =	vor.u32 v2, v9  }
0x27: {  	v9 =	vor.u32 v3, v9;
	v11 =	vld.idx.msk [tilespmem:v8+s11+$0x0], $0xffff  }
0x28: {  	v12 =	vadd.s32 $0x88, v8;
	_ =	sdelay $0x2  }
0x29: {  	v10 =	vld.idx.msk [tilespmem:v10+s3+$0x0], $0xffff  }
0x2a: {  	v9 =	vld.idx.msk [tilespmem:v9+s3+$0x0], $0xffff;
	[tilespmem:v7+s15+$0x0] =	vst.idx.msk $0xffff, v11  }
0x2b: {  	v22 =	vor.u32 $0x1, v7;
	v11 =	vld.idx.msk [tilespmem:v12+s11+$0x0], $0xffff  }
0x2c: {  	v13 =	vadd.s32 $0x110, v8;
	_ =	sdelay $0x3  }
0x2d: {  	[tilespmem:v22+s15+$0x0] =	vst.idx.msk $0xffff, v11  }
0x2e: {  	v23 =	vor.u32 $0x2, v7;
	v11 =	vld.idx.msk [tilespmem:v13+s11+$0x0], $0xffff  }
0x2f: {  	v24 =	vadd.s32 $0x198, v8;
	_ =	sdelay $0x3  }
0x30: {  	[tilespmem:v23+s15+$0x0] =	vst.idx.msk $0xffff, v11  }
0x31: {  	v25 =	vor.u32 $0x3, v7;
	v11 =	vld.idx.msk [tilespmem:v24+s11+$0x0], $0xffff  }
0x32: {  	v26 =	vadd.s32 $0x220, v8;
	_ =	sdelay $0x3  }
0x33: {  	[tilespmem:v25+s15+$0x0] =	vst.idx.msk $0xffff, v11  }
0x34: {  	v27 =	vor.u32 $0x4, v7;
	v11 =	vld.idx.msk [tilespmem:v26+s11+$0x0], $0xffff  }
0x35: {  	v28 =	vadd.s32 $0x2A8, v8;
	_ =	sdelay $0x3  }
0x36: {  	[tilespmem:v27+s15+$0x0] =	vst.idx.msk $0xffff, v11  }
0x37: {  	v29 =	vor.u32 $0x5, v7;
	v11 =	vld.idx.msk [tilespmem:v28+s11+$0x0], $0xffff  }
0x38: {  	v30 =	vadd.s32 $0x330, v8;
	_ =	sdelay $0x3  }
0x39: {  	[tilespmem:v29+s15+$0x0] =	vst.idx.msk $0xffff, v11  }
0x3a: {  	v31 =	vor.u32 $0x6, v7;
	v11 =	vld.idx.msk [tilespmem:v30+s11+$0x0], $0xffff  }
0x3b: {  	v32 =	vadd.s32 $0x3B8, v8;
	_ =	sdelay $0x3  }
0x3c: {  	[tilespmem:v31+s15+$0x0] =	vst.idx.msk $0xffff, v11  }
0x3d: {  	v33 =	vor.u32 $0x7, v7;
	v11 =	vld.idx.msk [tilespmem:v32+s11+$0x0], $0xffff  }
0x3e: {  	v34 =	vadd.s32 $0x440, v8;
	_ =	sdelay $0x3  }
0x3f: {  	[tilespmem:v33+s15+$0x0] =	vst.idx.msk $0xffff, v11  }
0x40: {  	v35 =	vadd.s32 $0x8, v7;
	v11 =	vld.idx.msk [tilespmem:v34+s11+$0x0], $0xffff  }
0x41: {  	v8 =	vadd.s32 $0x4C8, v8;
	_ =	sdelay $0x3  }
0x42: {  	[tilespmem:v35+s15+$0x0] =	vst.idx.msk $0xffff, v11  }
0x43: {  	v36 =	vadd.s32 $0x9, v7;
	v8 =	vld.idx.msk [tilespmem:v8+s11+$0x0], $0xffff;
	_ =	sdelay $0x4  }
0x44: {  	[tilespmem:v36+s15+$0x0] =	vst.idx.msk $0xffff, v8  }
0x45: {  	v37 =	vadd.s32 $0xA, v7;
	v8 =	vld.idx.msk [tilespmem:v10+s12+$0x0], $0xffff  }
0x46: {  	v38 =	vadd.s32 $0x10, v10;
	_ =	sdelay $0x3  }
0x47: {  	[tilespmem:v37+s15+$0x0] =	vst.idx.msk $0xffff, v8  }
0x48: {  	v39 =	vadd.s32 $0xB, v7;
	v8 =	vld.idx.msk [tilespmem:v38+s12+$0x0], $0xffff  }
0x49: {  	v40 =	vadd.s32 $0x20, v10;
	_ =	sdelay $0x3  }
0x4a: {  	[tilespmem:v39+s15+$0x0] =	vst.idx.msk $0xffff, v8  }
0x4b: {  	v41 =	vadd.s32 $0xC, v7;
	v8 =	vld.idx.msk [tilespmem:v40+s12+$0x0], $0xffff  }
0x4c: {  	v42 =	vadd.s32 $0x30, v10;
	_ =	sdelay $0x3  }
0x4d: {  	[tilespmem:v41+s15+$0x0] =	vst.idx.msk $0xffff, v8  }
0x4e: {  	v43 =	vadd.s32 $0xD, v7;
	v8 =	vld.idx.msk [tilespmem:v42+s12+$0x0], $0xffff  }
0x4f: {  	v44 =	vadd.s32 $0x40, v10;
	_ =	sdelay $0x3  }
0x50: {  	[tilespmem:v43+s15+$0x0] =	vst.idx.msk $0xffff, v8  }
0x51: {  	v45 =	vadd.s32 $0xE, v7;
	v8 =	vld.idx.msk [tilespmem:v44+s12+$0x0], $0xffff  }
0x52: {  	v10 =	vadd.s32 $0x50, v10;
	_ =	sdelay $0x3  }
0x53: {  	[tilespmem:v45+s15+$0x0] =	vst.idx.msk $0xffff, v8  }
0x54: {  	v46 =	vadd.s32 $0xF, v7;
	v8 =	vld.idx.msk [tilespmem:v10+s12+$0x0], $0xffff;
	_ =	sdelay $0x4  }
0x55: {  	[tilespmem:v46+s15+$0x0] =	vst.idx.msk $0xffff, v8  }
0x56: {  	v47 =	vadd.s32 $0x10, v7;
	v8 =	vld.idx.msk [tilespmem:v9+s13+$0x0], $0xffff  }
0x57: {  	v48 =	vadd.s32 $0x10, v9;
	_ =	sdelay $0x3  }
0x58: {  	[tilespmem:v47+s15+$0x0] =	vst.idx.msk $0xffff, v8  }
0x59: {  	v49 =	vadd.s32 $0x11, v7;
	v8 =	vld.idx.msk [tilespmem:v48+s13+$0x0], $0xffff  }
0x5a: {  	v50 =	vadd.s32 $0x20, v9;
	_ =	sdelay $0x3  }
0x5b: {  	[tilespmem:v49+s15+$0x0] =	vst.idx.msk $0xffff, v8  }
0x5c: {  	v51 =	vadd.s32 $0x12, v7;
	v8 =	vld.idx.msk [tilespmem:v50+s13+$0x0], $0xffff  }
0x5d: {  	v9 =	vadd.s32 $0x30, v9;
	_ =	sdelay $0x3  }
0x5e: {  	s30 =	sadd.s32 $0xFFFFFFE0, s19;
	[tilespmem:v51+s15+$0x0] =	vst.idx.msk $0xffff, v8  }
0x5f: {  	v52 =	vor.u32 s30, v0;
	v7 =	vadd.s32 $0x13, v7;
	v8 =	vld.idx.msk [tilespmem:v9+s13+$0x0], $0xffff  }
0x60: {  	v53 =	vand.u32 v4, v52;
	_ =	sdelay $0x3  }
0x61: {  	[tilespmem:v7+s15+$0x0] =	vst.idx.msk $0xffff, v8  }
0x62: {  	v7 =	vld.idx.msk [tilespmem:v53+s3+$0x0], $0xffff;
	_ =	sdelay $0x5  }
0x63: {  	v8 =	vand.u32 $0x1D8, v52  }
0x64: {  	v9 =	vmul.u32 $0x18, v52;
	v54 =	vor.u32 v2, v8  }
0x65: {  	v8 =	vor.u32 v3, v8;
	v55 =	vld.idx.msk [tilespmem:v7+s11+$0x0], $0xffff  }
0x66: {  	v56 =	vadd.s32 $0x88, v7;
	_ =	sdelay $0x2  }
0x67: {  	v10 =	vld.idx.msk [tilespmem:v54+s3+$0x0], $0xffff  }
0x68: {  	v8 =	vld.idx.msk [tilespmem:v8+s3+$0x0], $0xffff;
	[tilespmem:v9+s15+$0x0] =	vst.idx.msk $0xffff, v55  }
0x69: {  	v57 =	vor.u32 $0x1, v9;
	v11 =	vld.idx.msk [tilespmem:v56+s11+$0x0], $0xffff  }
0x6a: {  	v58 =	vadd.s32 $0x110, v7;
	_ =	sdelay $0x3  }
0x6b: {  	[tilespmem:v57+s15+$0x0] =	vst.idx.msk $0xffff, v11  }
0x6c: {  	v59 =	vor.u32 $0x2, v9;
	v11 =	vld.idx.msk [tilespmem:v58+s11+$0x0], $0xffff  }
0x6d: {  	v60 =	vadd.s32 $0x198, v7;
	_ =	sdelay $0x3  }
0x6e: {  	[tilespmem:v59+s15+$0x0] =	vst.idx.msk $0xffff, v11  }
0x6f: {  	v61 =	vor.u32 $0x3, v9;
	v11 =	vld.idx.msk [tilespmem:v60+s11+$0x0], $0xffff  }
0x70: {  	v62 =	vadd.s32 $0x220, v7;
	_ =	sdelay $0x3  }
0x71: {  	[tilespmem:v61+s15+$0x0] =	vst.idx.msk $0xffff, v11  }
0x72: {  	v63 =	vor.u32 $0x4, v9;
	v11 =	vld.idx.msk [tilespmem:v62+s11+$0x0], $0xffff  }
0x73: {  	v16 =	vadd.s32 $0x2A8, v7;
	_ =	sdelay $0x3  }
0x74: {  	[tilespmem:v63+s15+$0x0] =	vst.idx.msk $0xffff, v11  }
0x75: {  	v17 =	vor.u32 $0x5, v9;
	v11 =	vld.idx.msk [tilespmem:v16+s11+$0x0], $0xffff  }
0x76: {  	v18 =	vadd.s32 $0x330, v7;
	_ =	sdelay $0x3  }
0x77: {  	[tilespmem:v17+s15+$0x0] =	vst.idx.msk $0xffff, v11  }
0x78: {  	v19 =	vor.u32 $0x6, v9;
	v11 =	vld.idx.msk [tilespmem:v18+s11+$0x0], $0xffff  }
0x79: {  	v20 =	vadd.s32 $0x3B8, v7;
	_ =	sdelay $0x3  }
0x7a: {  	[tilespmem:v19+s15+$0x0] =	vst.idx.msk $0xffff, v11  }
0x7b: {  	v21 =	vor.u32 $0x7, v9;
	v11 =	vld.idx.msk [tilespmem:v20+s11+$0x0], $0xffff  }
0x7c: {  	v22 =	vadd.s32 $0x440, v7;
	_ =	sdelay $0x3  }
0x7d: {  	[tilespmem:v21+s15+$0x0] =	vst.idx.msk $0xffff, v11  }
0x7e: {  	v23 =	vadd.s32 $0x8, v9;
	v11 =	vld.idx.msk [tilespmem:v22+s11+$0x0], $0xffff  }
0x7f: {  	v7 =	vadd.s32 $0x4C8, v7;
	_ =	sdelay $0x3  }
0x80: {  	[tilespmem:v23+s15+$0x0] =	vst.idx.msk $0xffff, v11  }
0x81: {  	v24 =	vadd.s32 $0x9, v9;
	v7 =	vld.idx.msk [tilespmem:v7+s11+$0x0], $0xffff;
	_ =	sdelay $0x4  }
0x82: {  	[tilespmem:v24+s15+$0x0] =	vst.idx.msk $0xffff, v7  }
0x83: {  	v25 =	vadd.s32 $0xA, v9;
	v7 =	vld.idx.msk [tilespmem:v10+s12+$0x0], $0xffff  }
0x84: {  	v26 =	vadd.s32 $0x10, v10;
	_ =	sdelay $0x3  }
0x85: {  	[tilespmem:v25+s15+$0x0] =	vst.idx.msk $0xffff, v7  }
0x86: {  	v27 =	vadd.s32 $0xB, v9;
	v7 =	vld.idx.msk [tilespmem:v26+s12+$0x0], $0xffff  }
0x87: {  	v28 =	vadd.s32 $0x20, v10;
	_ =	sdelay $0x3  }
0x88: {  	[tilespmem:v27+s15+$0x0] =	vst.idx.msk $0xffff, v7  }
0x89: {  	v29 =	vadd.s32 $0xC, v9;
	v7 =	vld.idx.msk [tilespmem:v28+s12+$0x0], $0xffff  }
0x8a: {  	v30 =	vadd.s32 $0x30, v10;
	_ =	sdelay $0x3  }
0x8b: {  	[tilespmem:v29+s15+$0x0] =	vst.idx.msk $0xffff, v7  }
0x8c: {  	v31 =	vadd.s32 $0xD, v9;
	v7 =	vld.idx.msk [tilespmem:v30+s12+$0x0], $0xffff  }
0x8d: {  	v32 =	vadd.s32 $0x40, v10;
	_ =	sdelay $0x3  }
0x8e: {  	[tilespmem:v31+s15+$0x0] =	vst.idx.msk $0xffff, v7  }
0x8f: {  	v33 =	vadd.s32 $0xE, v9;
	v7 =	vld.idx.msk [tilespmem:v32+s12+$0x0], $0xffff  }
0x90: {  	v10 =	vadd.s32 $0x50, v10;
	_ =	sdelay $0x3  }
0x91: {  	[tilespmem:v33+s15+$0x0] =	vst.idx.msk $0xffff, v7  }
0x92: {  	v34 =	vadd.s32 $0xF, v9;
	v7 =	vld.idx.msk [tilespmem:v10+s12+$0x0], $0xffff;
	_ =	sdelay $0x4  }
0x93: {  	[tilespmem:v34+s15+$0x0] =	vst.idx.msk $0xffff, v7  }
0x94: {  	v35 =	vadd.s32 $0x10, v9;
	v7 =	vld.idx.msk [tilespmem:v8+s13+$0x0], $0xffff  }
0x95: {  	v36 =	vadd.s32 $0x10, v8;
	_ =	sdelay $0x3  }
0x96: {  	[tilespmem:v35+s15+$0x0] =	vst.idx.msk $0xffff, v7  }
0x97: {  	v37 =	vadd.s32 $0x11, v9;
	v7 =	vld.idx.msk [tilespmem:v36+s13+$0x0], $0xffff  }
0x98: {  	v38 =	vadd.s32 $0x20, v8;
	_ =	sdelay $0x3  }
0x99: {  	[tilespmem:v37+s15+$0x0] =	vst.idx.msk $0xffff, v7  }
0x9a: {  	v39 =	vadd.s32 $0x12, v9;
	v7 =	vld.idx.msk [tilespmem:v38+s13+$0x0], $0xffff  }
0x9b: {  	v8 =	vadd.s32 $0x30, v8;
	_ =	sdelay $0x3  }
0x9c: {  	s31 =	sadd.s32 $0xFFFFFFF0, s19;
	[tilespmem:v39+s15+$0x0] =	vst.idx.msk $0xffff, v7  }
0x9d: {  	v40 =	vor.u32 s31, v0;
	v7 =	vld.idx.msk [tilespmem:v8+s13+$0x0], $0xffff;
	v8 =	vadd.s32 $0x13, v9  }
0x9e: {  	v41 =	vand.u32 v5, v40;
	_ =	sdelay $0x3  }
0x9f: {  	[tilespmem:v8+s15+$0x0] =	vst.idx.msk $0xffff, v7  }
0xa0: {  	v7 =	vld.idx.msk [tilespmem:v41+s3+$0x0], $0xffff;
	_ =	sdelay $0x5  }
0xa1: {  	v8 =	vand.u32 $0x1E8, v40  }
0xa2: {  	v9 =	vmul.u32 $0x18, v40;
	v42 =	vor.u32 v2, v8  }
0xa3: {  	v8 =	vor.u32 v3, v8;
	v43 =	vld.idx.msk [tilespmem:v7+s11+$0x0], $0xffff  }
0xa4: {  	v44 =	vadd.s32 $0x88, v7;
	_ =	sdelay $0x2  }
0xa5: {  	v10 =	vld.idx.msk [tilespmem:v42+s3+$0x0], $0xffff  }
0xa6: {  	v8 =	vld.idx.msk [tilespmem:v8+s3+$0x0], $0xffff;
	[tilespmem:v9+s15+$0x0] =	vst.idx.msk $0xffff, v43  }
0xa7: {  	v45 =	vor.u32 $0x1, v9;
	v11 =	vld.idx.msk [tilespmem:v44+s11+$0x0], $0xffff  }
0xa8: {  	v46 =	vadd.s32 $0x110, v7;
	_ =	sdelay $0x3  }
0xa9: {  	[tilespmem:v45+s15+$0x0] =	vst.idx.msk $0xffff, v11  }
0xaa: {  	v47 =	vor.u32 $0x2, v9;
	v11 =	vld.idx.msk [tilespmem:v46+s11+$0x0], $0xffff  }
0xab: {  	v48 =	vadd.s32 $0x198, v7;
	_ =	sdelay $0x3  }
0xac: {  	[tilespmem:v47+s15+$0x0] =	vst.idx.msk $0xffff, v11  }
0xad: {  	v49 =	vor.u32 $0x3, v9;
	v11 =	vld.idx.msk [tilespmem:v48+s11+$0x0], $0xffff  }
0xae: {  	v50 =	vadd.s32 $0x220, v7;
	_ =	sdelay $0x3  }
0xaf: {  	[tilespmem:v49+s15+$0x0] =	vst.idx.msk $0xffff, v11  }
0xb0: {  	v51 =	vor.u32 $0x4, v9;
	v11 =	vld.idx.msk [tilespmem:v50+s11+$0x0], $0xffff  }
0xb1: {  	v52 =	vadd.s32 $0x2A8, v7;
	_ =	sdelay $0x3  }
0xb2: {  	[tilespmem:v51+s15+$0x0] =	vst.idx.msk $0xffff, v11  }
0xb3: {  	v53 =	vor.u32 $0x5, v9;
	v11 =	vld.idx.msk [tilespmem:v52+s11+$0x0], $0xffff  }
0xb4: {  	v54 =	vadd.s32 $0x330, v7;
	_ =	sdelay $0x3  }
0xb5: {  	[tilespmem:v53+s15+$0x0] =	vst.idx.msk $0xffff, v11  }
0xb6: {  	v55 =	vor.u32 $0x6, v9;
	v11 =	vld.idx.msk [tilespmem:v54+s11+$0x0], $0xffff  }
0xb7: {  	v56 =	vadd.s32 $0x3B8, v7;
	_ =	sdelay $0x3  }
0xb8: {  	[tilespmem:v55+s15+$0x0] =	vst.idx.msk $0xffff, v11  }
0xb9: {  	v57 =	vor.u32 $0x7, v9;
	v11 =	vld.idx.msk [tilespmem:v56+s11+$0x0], $0xffff  }
0xba: {  	v58 =	vadd.s32 $0x440, v7;
	_ =	sdelay $0x3  }
0xbb: {  	[tilespmem:v57+s15+$0x0] =	vst.idx.msk $0xffff, v11  }
0xbc: {  	v59 =	vadd.s32 $0x8, v9;
	v11 =	vld.idx.msk [tilespmem:v58+s11+$0x0], $0xffff  }
0xbd: {  	v7 =	vadd.s32 $0x4C8, v7;
	_ =	sdelay $0x3  }
0xbe: {  	[tilespmem:v59+s15+$0x0] =	vst.idx.msk $0xffff, v11  }
0xbf: {  	v60 =	vadd.s32 $0x9, v9;
	v7 =	vld.idx.msk [tilespmem:v7+s11+$0x0], $0xffff;
	_ =	sdelay $0x4  }
0xc0: {  	[tilespmem:v60+s15+$0x0] =	vst.idx.msk $0xffff, v7  }
0xc1: {  	v61 =	vadd.s32 $0xA, v9;
	v7 =	vld.idx.msk [tilespmem:v10+s12+$0x0], $0xffff  }
0xc2: {  	v62 =	vadd.s32 $0x10, v10;
	_ =	sdelay $0x3  }
0xc3: {  	[tilespmem:v61+s15+$0x0] =	vst.idx.msk $0xffff, v7  }
0xc4: {  	v63 =	vadd.s32 $0xB, v9;
	v7 =	vld.idx.msk [tilespmem:v62+s12+$0x0], $0xffff  }
0xc5: {  	v16 =	vadd.s32 $0x20, v10;
	_ =	sdelay $0x3  }
0xc6: {  	[tilespmem:v63+s15+$0x0] =	vst.idx.msk $0xffff, v7  }
0xc7: {  	v17 =	vadd.s32 $0xC, v9;
	v7 =	vld.idx.msk [tilespmem:v16+s12+$0x0], $0xffff  }
0xc8: {  	v18 =	vadd.s32 $0x30, v10;
	_ =	sdelay $0x3  }
0xc9: {  	[tilespmem:v17+s15+$0x0] =	vst.idx.msk $0xffff, v7  }
0xca: {  	v19 =	vadd.s32 $0xD, v9;
	v7 =	vld.idx.msk [tilespmem:v18+s12+$0x0], $0xffff  }
0xcb: {  	v20 =	vadd.s32 $0x40, v10;
	_ =	sdelay $0x3  }
0xcc: {  	[tilespmem:v19+s15+$0x0] =	vst.idx.msk $0xffff, v7  }
0xcd: {  	v21 =	vadd.s32 $0xE, v9;
	v7 =	vld.idx.msk [tilespmem:v20+s12+$0x0], $0xffff  }
0xce: {  	v10 =	vadd.s32 $0x50, v10;
	_ =	sdelay $0x3  }
0xcf: {  	[tilespmem:v21+s15+$0x0] =	vst.idx.msk $0xffff, v7  }
0xd0: {  	v22 =	vadd.s32 $0xF, v9;
	v7 =	vld.idx.msk [tilespmem:v10+s12+$0x0], $0xffff;
	_ =	sdelay $0x4  }
0xd1: {  	[tilespmem:v22+s15+$0x0] =	vst.idx.msk $0xffff, v7  }
0xd2: {  	v23 =	vadd.s32 $0x10, v9;
	v7 =	vld.idx.msk [tilespmem:v8+s13+$0x0], $0xffff  }
0xd3: {  	v24 =	vadd.s32 $0x10, v8;
	_ =	sdelay $0x3  }
0xd4: {  	[tilespmem:v23+s15+$0x0] =	vst.idx.msk $0xffff, v7  }
0xd5: {  	v25 =	vadd.s32 $0x11, v9;
	v7 =	vld.idx.msk [tilespmem:v24+s13+$0x0], $0xffff  }
0xd6: {  	v26 =	vadd.s32 $0x20, v8;
	_ =	sdelay $0x3  }
0xd7: {  	[tilespmem:v25+s15+$0x0] =	vst.idx.msk $0xffff, v7  }
0xd8: {  	v27 =	vadd.s32 $0x12, v9;
	v7 =	vld.idx.msk [tilespmem:v26+s13+$0x0], $0xffff  }
0xd9: {  	v8 =	vadd.s32 $0x30, v8;
	_ =	sdelay $0x3  }
0xda: {  	[tilespmem:v27+s15+$0x0] =	vst.idx.msk $0xffff, v7  }
0xdb: {  	v28 =	vor.u32 s19, v0;
	v7 =	vld.idx.msk [tilespmem:v8+s13+$0x0], $0xffff;
	v8 =	vadd.s32 $0x13, v9  }
0xdc: {  	v29 =	vand.u32 v6, v28;
	_ =	sdelay $0x3  }
0xdd: {  	[tilespmem:v8+s15+$0x0] =	vst.idx.msk $0xffff, v7  }
0xde: {  	v7 =	vld.idx.msk [tilespmem:v29+s3+$0x0], $0xffff;
	_ =	sdelay $0x5  }
0xdf: {  	v8 =	vand.u32 $0x1F8, v28  }
0xe0: {  	v9 =	vmul.u32 $0x18, v28;
	v30 =	vor.u32 v2, v8  }
0xe1: {  	v8 =	vor.u32 v3, v8;
	v31 =	vld.idx.msk [tilespmem:v7+s11+$0x0], $0xffff  }
0xe2: {  	v32 =	vadd.s32 $0x88, v7;
	_ =	sdelay $0x2  }
0xe3: {  	v10 =	vld.idx.msk [tilespmem:v30+s3+$0x0], $0xffff  }
0xe4: {  	v8 =	vld.idx.msk [tilespmem:v8+s3+$0x0], $0xffff;
	[tilespmem:v9+s15+$0x0] =	vst.idx.msk $0xffff, v31  }
0xe5: {  	v33 =	vor.u32 $0x1, v9;
	v11 =	vld.idx.msk [tilespmem:v32+s11+$0x0], $0xffff  }
0xe6: {  	v34 =	vadd.s32 $0x110, v7;
	_ =	sdelay $0x3  }
0xe7: {  	[tilespmem:v33+s15+$0x0] =	vst.idx.msk $0xffff, v11  }
0xe8: {  	v35 =	vor.u32 $0x2, v9;
	v11 =	vld.idx.msk [tilespmem:v34+s11+$0x0], $0xffff  }
0xe9: {  	v36 =	vadd.s32 $0x198, v7;
	_ =	sdelay $0x3  }
0xea: {  	[tilespmem:v35+s15+$0x0] =	vst.idx.msk $0xffff, v11  }
0xeb: {  	v37 =	vor.u32 $0x3, v9;
	v11 =	vld.idx.msk [tilespmem:v36+s11+$0x0], $0xffff  }
0xec: {  	v38 =	vadd.s32 $0x220, v7;
	_ =	sdelay $0x3  }
0xed: {  	[tilespmem:v37+s15+$0x0] =	vst.idx.msk $0xffff, v11  }
0xee: {  	v39 =	vor.u32 $0x4, v9;
	v11 =	vld.idx.msk [tilespmem:v38+s11+$0x0], $0xffff  }
0xef: {  	v40 =	vadd.s32 $0x2A8, v7;
	_ =	sdelay $0x3  }
0xf0: {  	[tilespmem:v39+s15+$0x0] =	vst.idx.msk $0xffff, v11  }
0xf1: {  	v41 =	vor.u32 $0x5, v9;
	v11 =	vld.idx.msk [tilespmem:v40+s11+$0x0], $0xffff  }
0xf2: {  	v42 =	vadd.s32 $0x330, v7;
	_ =	sdelay $0x3  }
0xf3: {  	[tilespmem:v41+s15+$0x0] =	vst.idx.msk $0xffff, v11  }
0xf4: {  	v43 =	vor.u32 $0x6, v9;
	v11 =	vld.idx.msk [tilespmem:v42+s11+$0x0], $0xffff  }
0xf5: {  	v44 =	vadd.s32 $0x3B8, v7;
	_ =	sdelay $0x3  }
0xf6: {  	[tilespmem:v43+s15+$0x0] =	vst.idx.msk $0xffff, v11  }
0xf7: {  	v45 =	vor.u32 $0x7, v9;
	v11 =	vld.idx.msk [tilespmem:v44+s11+$0x0], $0xffff  }
0xf8: {  	v46 =	vadd.s32 $0x440, v7;
	_ =	sdelay $0x3  }
0xf9: {  	[tilespmem:v45+s15+$0x0] =	vst.idx.msk $0xffff, v11  }
0xfa: {  	v47 =	vadd.s32 $0x8, v9;
	v11 =	vld.idx.msk [tilespmem:v46+s11+$0x0], $0xffff  }
0xfb: {  	v7 =	vadd.s32 $0x4C8, v7;
	_ =	sdelay $0x3  }
0xfc: {  	[tilespmem:v47+s15+$0x0] =	vst.idx.msk $0xffff, v11  }
0xfd: {  	v48 =	vadd.s32 $0x9, v9;
	v7 =	vld.idx.msk [tilespmem:v7+s11+$0x0], $0xffff;
	_ =	sdelay $0x4  }
0xfe: {  	[tilespmem:v48+s15+$0x0] =	vst.idx.msk $0xffff, v7  }
0xff: {  	v49 =	vadd.s32 $0xA, v9;
	v7 =	vld.idx.msk [tilespmem:v10+s12+$0x0], $0xffff  }
0x100: {  	v50 =	vadd.s32 $0x10, v10;
	_ =	sdelay $0x3  }
0x101: {  	[tilespmem:v49+s15+$0x0] =	vst.idx.msk $0xffff, v7  }
0x102: {  	v51 =	vadd.s32 $0xB, v9;
	v7 =	vld.idx.msk [tilespmem:v50+s12+$0x0], $0xffff  }
0x103: {  	v52 =	vadd.s32 $0x20, v10;
	_ =	sdelay $0x3  }
0x104: {  	[tilespmem:v51+s15+$0x0] =	vst.idx.msk $0xffff, v7  }
0x105: {  	v53 =	vadd.s32 $0xC, v9;
	v7 =	vld.idx.msk [tilespmem:v52+s12+$0x0], $0xffff  }
0x106: {  	v54 =	vadd.s32 $0x30, v10;
	_ =	sdelay $0x3  }
0x107: {  	[tilespmem:v53+s15+$0x0] =	vst.idx.msk $0xffff, v7  }
0x108: {  	v55 =	vadd.s32 $0xD, v9;
	v7 =	vld.idx.msk [tilespmem:v54+s12+$0x0], $0xffff  }
0x109: {  	v56 =	vadd.s32 $0x40, v10;
	_ =	sdelay $0x3  }
0x10a: {  	[tilespmem:v55+s15+$0x0] =	vst.idx.msk $0xffff, v7  }
0x10b: {  	v57 =	vadd.s32 $0xE, v9;
	v7 =	vld.idx.msk [tilespmem:v56+s12+$0x0], $0xffff  }
0x10c: {  	v10 =	vadd.s32 $0x50, v10;
	_ =	sdelay $0x3  }
0x10d: {  	[tilespmem:v57+s15+$0x0] =	vst.idx.msk $0xffff, v7  }
0x10e: {  	v58 =	vadd.s32 $0xF, v9;
	v7 =	vld.idx.msk [tilespmem:v10+s12+$0x0], $0xffff;
	_ =	sdelay $0x4  }
0x10f: {  	[tilespmem:v58+s15+$0x0] =	vst.idx.msk $0xffff, v7  }
0x110: {  	v59 =	vadd.s32 $0x10, v9;
	v7 =	vld.idx.msk [tilespmem:v8+s13+$0x0], $0xffff  }
0x111: {  	v60 =	vadd.s32 $0x10, v8;
	_ =	sdelay $0x3  }
0x112: {  	[tilespmem:v59+s15+$0x0] =	vst.idx.msk $0xffff, v7  }
0x113: {  	v61 =	vadd.s32 $0x11, v9;
	v7 =	vld.idx.msk [tilespmem:v60+s13+$0x0], $0xffff  }
0x114: {  	v62 =	vadd.s32 $0x20, v8;
	_ =	sdelay $0x3  }
0x115: {  	[tilespmem:v61+s15+$0x0] =	vst.idx.msk $0xffff, v7  }
0x116: {  	v63 =	vadd.s32 $0x12, v9;
	v7 =	vld.idx.msk [tilespmem:v62+s13+$0x0], $0xffff  }
0x117: {  	v8 =	vadd.s32 $0x30, v8;
	_ =	sdelay $0x3  }
0x118: {  	s18 =	sadd.s32 $0x4, s18;
	[tilespmem:v63+s15+$0x0] =	vst.idx.msk $0xffff, v7  }
0x119: {  	p0 =	slt.u32 s18, $0x1C;
	v7 =	vld.idx.msk [tilespmem:v8+s13+$0x0], $0xffff;
	v8 =	vadd.s32 $0x13, v9  }
.Ltmp0:
0x11a: {  	_ = 	snop;
	(pc) =	sbr.rel @p0 .LBB2_2-.Ltmp0, $2  }
0x11b: {  	_ =	sdelay $0x2  }
0x11c: {  	s19 =	sadd.s32 $0x40, s19;
	[tilespmem:v8+s15+$0x0] =	vst.idx.msk $0xffff, v7  }
0x11d: {  	s17 =	sadd.s32 $0x1, s17  }
0x11e: {  	p0 =	sne.s32 s17, s8  }
.Ltmp1:
0x11f: {  	_ = 	snop;
	(pc) =	sbr.rel @p0 .LBB2_1-.Ltmp1, $4  }
0x120: {  	[hbm4b:s7+s3] =	stream.linear.scatter [tilespmem:s15], [sflag:$0x2], $0x3000, $0x38;
	[tilespmem:$0x3BF0] =	vst v63  }
0x121: {  	_ =	swait.ge [sflag:s16], $0x3000  }
0x122: {  	[sflag:s16] =	ssyncset.done $0x0  }
0x123: {  	[sflag:s16] =	ssyncadd.s32 $0xFFFFD000  }
0x124: {  	_ =	sfence.sel $0x180000  }
0x125: {  	[bflag:$0x0] =	sbarrier.arrive $0xFFFF  }
0x126: {  	p0 =	sne.s32 s1, $0x0;
	_ =	strace $0x90000047  }
0x127: {  	s0 =	sadd.s32 @!p0 $0x100000, s0;
	[bflag:$0x2] =	sbarrier.arrive $0xFFFF  }
0x128: {  	[sflag:s0] =	ssyncadd.tile.s32 @!p0 $0x1;
	_ =	shalt  }
.Lfunc_end2:
_tile_overlayer_lowered:
.L_overlay_start_2:
0x129: {  	(tag) =	ssettag $0x2  }
0x12a: {  	s0 =	rddreg [dreg:$0x0];
	s2 =	stileid.u32  }
0x12b: {  	s1 =	rddreg [dreg:$0x1];
	p0 =	sne.s32 s2, $0x0  }
0x12c: {  	s3 =	rddreg [dreg:$0x2];
	[bflag:$0x3] =	sbarrier.arrive $0xFFFF;
	s2 =	simm.s32 @!p0 $0x1C02  }
0x12d: {  	[timem:s3], [sflag:s2] =	dma.local @!p0 [hbm:s0], s1  }
0x12e: {  	s0 =	simm.s32 @!p0 $0x2  }
0x12f: {  	_ =	swait.ge @!p0 [sflag:s0], s1  }
0x130: {  	s1 =	ssub.s32 @!p0 $0x0, s1;
	[sflag:s0] =	ssyncset.done @!p0 $0x0  }
0x131: {  	[sflag:s0] =	ssyncadd.s32 @!p0 s1  }
0x132: {  	[bflag:$0x3] =	sbarrier.arrive $0xFFFF  }
0x133: {  	_ =	shalt  }

</sc_bundles>
